<compile_context>
chip_gen: v7x
topology: tpu7x:2x2x1
jax: 0.10.2.dev20260603
libtpu: 0.0.44.dev20260713+nightly
codegen_flags: <defaults>
</compile_context>

<pallas_src>
import functools

import jax
import jax.numpy as jnp
from jax import lax
from jax.experimental import pallas as pl
from jax.experimental.pallas import tpu as pltpu
from jax.experimental.pallas import tpu_sc as plsc

B = 4096
L = 200
EMB = 64
NC = 2
NS = 16
NW = NC * NS
BPW = B // NW
LANES = 16
VECS = EMB // LANES
LC0 = 104
LC1 = L - LC0


NBUF = 4


def _sc_body(mid_hbm, hist_hbm, mask_hbm, table_hbm,
             mean_hbm, item_hbm,
             mid_v, idx_v, mask_v, rows_v, hist_v, mean_v,
             sem_item, sem_h0, sem_h1, sem_h2, sem_h3):
    wid = lax.axis_index("s") * NC + lax.axis_index("c")
    base = wid * BPW

    pltpu.sync_copy(mid_hbm.at[pl.ds(base, BPW)], mid_v)
    pltpu.sync_copy(hist_hbm.at[pl.ds(base, BPW)], idx_v)
    pltpu.sync_copy(mask_hbm.at[pl.ds(base, BPW)], mask_v)

    iota = lax.broadcasted_iota(jnp.int32, (LANES,), 0)
    sems = (sem_h0, sem_h1, sem_h2, sem_h3)

    def issue(b, p, sem):
        pltpu.async_copy(table_hbm.at[idx_v.at[b, pl.ds(0, LC0)]],
                         hist_v.at[p, pl.ds(0, LC0)], sem)
        pltpu.async_copy(table_hbm.at[idx_v.at[b, pl.ds(LC0, LC1)]],
                         hist_v.at[p, pl.ds(LC0, LC1)], sem)

    def drain(p, sem):
        pltpu.make_async_copy(table_hbm.at[pl.ds(0, L)],
                              hist_v.at[p], sem).wait()

    def consume(b, p):
        def mask_body(g, dv):
            return dv + mask_v[b, pl.ds(g * LANES, LANES)]
        dv = lax.fori_loop(0, L // LANES, mask_body,
                           jnp.zeros((LANES,), jnp.float32))
        tail = mask_v[b, pl.ds(L - LANES, LANES)]
        dv = dv + jnp.where(iota >= LANES - (L % LANES), tail, 0.0)
        denom_vec = jnp.sum(dv) + jnp.full((LANES,), 1e-9, jnp.float32)

        def acc_body(j, accs):
            return tuple(accs[k] + hist_v[p, j, pl.ds(k * LANES, LANES)]
                         for k in range(VECS))
        accs = lax.fori_loop(0, L, acc_body,
                             tuple(jnp.zeros((LANES,), jnp.float32)
                                   for _ in range(VECS)),
                             unroll=4)
        inv = jnp.full((LANES,), 1.0, jnp.float32) / denom_vec
        for k in range(VECS):
            mean_v[b, pl.ds(k * LANES, LANES)] = accs[k] * inv

    issue(0, 0, sems[0])
    issue(1, 1, sems[1])

    pltpu.async_copy(table_hbm.at[mid_v], rows_v, sem_item)

    def ring_body(b4, carry):
        for p in range(NBUF):
            b = NBUF * b4 + p
            nxt = (p + 2) % NBUF

            @pl.when(b + 2 < BPW)
            def _():
                issue(b + 2, nxt, sems[nxt])

            drain(p, sems[p])
            consume(b, p)
        return carry

    lax.fori_loop(0, BPW // NBUF, ring_body, 0)
    pltpu.make_async_copy(table_hbm.at[pl.ds(0, BPW)], rows_v, sem_item).wait()
    pltpu.sync_copy(rows_v, item_hbm.at[pl.ds(base, BPW)])
    pltpu.sync_copy(mean_v, mean_hbm.at[pl.ds(base, BPW)])


_sc_kernel = functools.partial(
    pl.kernel,
    out_type=[jax.ShapeDtypeStruct((B, EMB), jnp.float32),
              jax.ShapeDtypeStruct((B, EMB), jnp.float32)],
    mesh=plsc.VectorSubcoreMesh(core_axis_name="c", subcore_axis_name="s",
                                num_cores=NC, num_subcores=NS),
    scratch_types=[
        pltpu.VMEM((BPW,), jnp.int32),
        pltpu.VMEM((BPW, L), jnp.int32),
        pltpu.VMEM((BPW, L), jnp.float32),
        pltpu.VMEM((BPW, EMB), jnp.float32),
        pltpu.VMEM((4, L, EMB), jnp.float32),
        pltpu.VMEM((BPW, EMB), jnp.float32),
        pltpu.SemaphoreType.DMA,
        pltpu.SemaphoreType.DMA,
        pltpu.SemaphoreType.DMA,
        pltpu.SemaphoreType.DMA,
        pltpu.SemaphoreType.DMA,
    ],
    compiler_params=pltpu.CompilerParams(use_tc_tiling_on_sc=False,
                                         needs_layout_passes=False),
)(_sc_body)


def _mm_body(x_ref, w_ref, b_ref, o_ref):
    o_ref[...] = (jnp.dot(x_ref[...], w_ref[...],
                          preferred_element_type=jnp.float32)
                  + b_ref[...])


_tc_matmul = pl.pallas_call(
    _mm_body,
    out_shape=jax.ShapeDtypeStruct((B, EMB), jnp.float32),
)


def kernel(mid, mid_hist, mask, item_table, W, b):
    mean, item_emb = _sc_kernel(mid, mid_hist, mask, item_table)
    user_vec = _tc_matmul(mean, W, b.reshape(1, EMB))
    return (user_vec, item_emb)

# --- scband reference (transcript-rebuilt; emitter-appended) ---
"""Pipeline reference for scband-keras-model-dnn-71906342469707 (READ-ONLY COPY).

The authoritative reference and input builder live on the scoring server;
editing this copy changes nothing except your own understanding.
"""

import jax, jax.numpy as jnp
import numpy as np

N_MID = 1000000
EMB = 64
HID = 64
B = 4096
L = 200


def setup_inputs(seed: int = 0) -> dict:
    key = jax.random.key(seed)
    ks = jax.random.split(key, 5)
    mid = jax.random.randint(ks[0], (B,), 0, N_MID, dtype=jnp.int32)
    mid_hist = jax.random.randint(ks[1], (B, L), 0, N_MID, dtype=jnp.int32)
    mask = jnp.ones((B, L), dtype=jnp.float32)
    item_table = jax.random.uniform(ks[2], (N_MID, EMB), minval=-0.05, maxval=0.05, dtype=jnp.float32)
    W = jax.random.normal(ks[3], (EMB, HID), dtype=jnp.float32) * 0.05
    b = jnp.zeros((HID,), dtype=jnp.float32)
    return {"mid": mid, "mid_hist": mid_hist, "mask": mask, "item_table": item_table, "W": W, "b": b}


def reference(mid, mid_hist, mask, item_table, W, b):
    # item_emb = embedding lookup for target items
    item_emb = jnp.take(item_table, mid, axis=0)
    # hist_emb = embedding lookup for history items
    hist_emb = jnp.take(item_table, mid_hist, axis=0)
    mask_f = mask.astype(jnp.float32)
    hist_emb_masked = hist_emb * mask_f[..., None]
    denom = jnp.sum(mask_f, axis=1, keepdims=True) + 1e-09
    user_hist_mean = jnp.sum(hist_emb_masked, axis=1) / denom
    user_vec = user_hist_mean @ W + b
    return (user_vec, item_emb)

if __name__ == "__main__":
    import jax
    _d = setup_inputs()
    print(jax.jit(kernel)(*tuple(_d.values())))

</pallas_src>

<mosaic_0001>
#map = affine_map<(d0, d1) -> (0)>
#map1 = affine_map<(d0, d1) -> (0, 0)>
module attributes {stable_mosaic.version = 14 : i64} {
  func.func @_sc_body(%arg0: i32, %arg1: i32, %arg2: memref<4096xi32, #tpu.memory_space<hbm>>, %arg3: memref<4096x200xi32, #tpu.memory_space<hbm>>, %arg4: memref<4096x200xf32, #tpu.memory_space<hbm>>, %arg5: memref<1000000x64xf32, #tpu.memory_space<hbm>>, %arg6: memref<4096x64xf32, #tpu.memory_space<hbm>>, %arg7: memref<4096x64xf32, #tpu.memory_space<hbm>>, %arg8: memref<128xi32, #tpu.memory_space<vmem>>, %arg9: memref<128x200xi32, #tpu.memory_space<vmem>>, %arg10: memref<128x200xf32, #tpu.memory_space<vmem>>, %arg11: memref<128x64xf32, #tpu.memory_space<vmem>>, %arg12: memref<4x200x64xf32, #tpu.memory_space<vmem>>, %arg13: memref<128x64xf32, #tpu.memory_space<vmem>>, %arg14: memref<!tpu.dma_semaphore, #tpu.memory_space<semaphore_mem>>, %arg15: memref<!tpu.dma_semaphore, #tpu.memory_space<semaphore_mem>>, %arg16: memref<!tpu.dma_semaphore, #tpu.memory_space<semaphore_mem>>, %arg17: memref<!tpu.dma_semaphore, #tpu.memory_space<semaphore_mem>>, %arg18: memref<!tpu.dma_semaphore, #tpu.memory_space<semaphore_mem>>) attributes {dimension_semantics = [#tpu.dimension_semantics<core_parallel>, #tpu.dimension_semantics<subcore_parallel>], iteration_bounds = array<i64: 2, 16>, scalar_prefetch = 0 : i64, scratch_operands = 11 : i64, tpu.core_type = #tpu.core_type<sc_vector_subcore>, window_params = [{transform_indices = #map}, {transform_indices = #map1}, {transform_indices = #map1}, {transform_indices = #map1}, {transform_indices = #map1}, {transform_indices = #map1}]} {
    %mul3A = arith.constant 2 : i32
    %mul3A_0 = arith.muli %arg1, %mul3A : i32
    %add3A = arith.addi %mul3A_0, %arg0 : i32
    %mul3A_1 = arith.constant 128 : i32
    %mul3A_2 = arith.muli %add3A, %mul3A_1 : i32
    "tpu.region"() ({
      %run_scoped3A = tpu.sem_alloc : memref<!tpu.dma_semaphore, #tpu.memory_space<semaphore_mem>>
      %dma_start3A_63 = tpu.memref_slice %arg2[%mul3A_2] : memref<4096xi32, #tpu.memory_space<hbm>> -> memref<128xi32, #tpu.memory_space<hbm>>
      %dma_start3A_64 = tpu.memref_slice %arg2[%mul3A_2] : memref<4096xi32, #tpu.memory_space<hbm>> -> memref<128xi32, #tpu.memory_space<hbm>>
      tpu.enqueue_dma source(%dma_start3A_64 : memref<128xi32, #tpu.memory_space<hbm>>) target(%arg8 : memref<128xi32, #tpu.memory_space<vmem>>) target_semaphore(%run_scoped3A : memref<!tpu.dma_semaphore, #tpu.memory_space<semaphore_mem>>)
      %dma_wait3A_65 = tpu.memref_slice %arg2[%mul3A_2] : memref<4096xi32, #tpu.memory_space<hbm>> -> memref<128xi32, #tpu.memory_space<hbm>>
      %dma_wait3A_66 = tpu.memref_slice %arg2[%mul3A_2] : memref<4096xi32, #tpu.memory_space<hbm>> -> memref<128xi32, #tpu.memory_space<hbm>>
      tpu.wait_dma2 semaphore(%run_scoped3A : memref<!tpu.dma_semaphore, #tpu.memory_space<semaphore_mem>>) src(%dma_wait3A_66 : memref<128xi32, #tpu.memory_space<hbm>>) dst(%arg8 : memref<128xi32, #tpu.memory_space<vmem>>)
      tpu.yield
    }) : () -> ()
    "tpu.region"() ({
      %run_scoped3A = tpu.sem_alloc : memref<!tpu.dma_semaphore, #tpu.memory_space<semaphore_mem>>
      %dma_start3A_63 = arith.constant 0 : i32
      %dma_start3A_64 = tpu.memref_slice %arg3[%mul3A_2, %dma_start3A_63] : memref<4096x200xi32, #tpu.memory_space<hbm>> -> memref<128x200xi32, #tpu.memory_space<hbm>>
      %dma_start3A_65 = arith.constant 0 : i32
      %dma_start3A_66 = tpu.memref_slice %arg3[%mul3A_2, %dma_start3A_65] : memref<4096x200xi32, #tpu.memory_space<hbm>> -> memref<128x200xi32, #tpu.memory_space<hbm>>
      tpu.enqueue_dma source(%dma_start3A_66 : memref<128x200xi32, #tpu.memory_space<hbm>>) target(%arg9 : memref<128x200xi32, #tpu.memory_space<vmem>>) target_semaphore(%run_scoped3A : memref<!tpu.dma_semaphore, #tpu.memory_space<semaphore_mem>>)
      %dma_wait3A_67 = arith.constant 0 : i32
      %dma_wait3A_68 = tpu.memref_slice %arg3[%mul3A_2, %dma_wait3A_67] : memref<4096x200xi32, #tpu.memory_space<hbm>> -> memref<128x200xi32, #tpu.memory_space<hbm>>
      %dma_wait3A_69 = arith.constant 0 : i32
      %dma_wait3A_70 = tpu.memref_slice %arg3[%mul3A_2, %dma_wait3A_69] : memref<4096x200xi32, #tpu.memory_space<hbm>> -> memref<128x200xi32, #tpu.memory_space<hbm>>
      tpu.wait_dma2 semaphore(%run_scoped3A : memref<!tpu.dma_semaphore, #tpu.memory_space<semaphore_mem>>) src(%dma_wait3A_70 : memref<128x200xi32, #tpu.memory_space<hbm>>) dst(%arg9 : memref<128x200xi32, #tpu.memory_space<vmem>>)
      tpu.yield
    }) : () -> ()
    "tpu.region"() ({
      %run_scoped3A = tpu.sem_alloc : memref<!tpu.dma_semaphore, #tpu.memory_space<semaphore_mem>>
      %dma_start3A_63 = arith.constant 0 : i32
      %dma_start3A_64 = tpu.memref_slice %arg4[%mul3A_2, %dma_start3A_63] : memref<4096x200xf32, #tpu.memory_space<hbm>> -> memref<128x200xf32, #tpu.memory_space<hbm>>
      %dma_start3A_65 = arith.constant 0 : i32
      %dma_start3A_66 = tpu.memref_slice %arg4[%mul3A_2, %dma_start3A_65] : memref<4096x200xf32, #tpu.memory_space<hbm>> -> memref<128x200xf32, #tpu.memory_space<hbm>>
      tpu.enqueue_dma source(%dma_start3A_66 : memref<128x200xf32, #tpu.memory_space<hbm>>) target(%arg10 : memref<128x200xf32, #tpu.memory_space<vmem>>) target_semaphore(%run_scoped3A : memref<!tpu.dma_semaphore, #tpu.memory_space<semaphore_mem>>)
      %dma_wait3A_67 = arith.constant 0 : i32
      %dma_wait3A_68 = tpu.memref_slice %arg4[%mul3A_2, %dma_wait3A_67] : memref<4096x200xf32, #tpu.memory_space<hbm>> -> memref<128x200xf32, #tpu.memory_space<hbm>>
      %dma_wait3A_69 = arith.constant 0 : i32
      %dma_wait3A_70 = tpu.memref_slice %arg4[%mul3A_2, %dma_wait3A_69] : memref<4096x200xf32, #tpu.memory_space<hbm>> -> memref<128x200xf32, #tpu.memory_space<hbm>>
      tpu.wait_dma2 semaphore(%run_scoped3A : memref<!tpu.dma_semaphore, #tpu.memory_space<semaphore_mem>>) src(%dma_wait3A_70 : memref<128x200xf32, #tpu.memory_space<hbm>>) dst(%arg10 : memref<128x200xf32, #tpu.memory_space<vmem>>)
      tpu.yield
    }) : () -> ()
    %iota3A = tpu.iota {dimensions = array<i32: 0>} : vector<16xi32>
    %dma_start3A = arith.constant 0 : i32
    %dma_start3A_3 = arith.constant 0 : i32
    %dma_start3A_4 = arith.constant 0 : i32
    %dma_start3A_5 = arith.constant 0 : i32
    %dma_start3A_6 = tpu.memref_slice %arg12[%dma_start3A_3, %dma_start3A_4, %dma_start3A_5] : memref<4x200x64xf32, #tpu.memory_space<vmem>> -> memref<1x104x64xf32, #tpu.memory_space<vmem>>
    %dma_start3A_7 = tpu.memref_squeeze %dma_start3A_6 : memref<1x104x64xf32, #tpu.memory_space<vmem>> -> memref<104x64xf32, #tpu.memory_space<vmem>>
    %dma_start3A_8 = arith.constant 0 : i32
    %dma_start3A_9 = tpu.memref_slice %arg9[%dma_start3A, %dma_start3A_8] : memref<128x200xi32, #tpu.memory_space<vmem>> -> memref<1x104xi32, #tpu.memory_space<vmem>>
    %dma_start3A_10 = tpu.memref_squeeze %dma_start3A_9 : memref<1x104xi32, #tpu.memory_space<vmem>> -> memref<104xi32, #tpu.memory_space<vmem>>
    %dma_start3A_11 = arith.constant 0 : i32
    %dma_start3A_12 = arith.constant 0 : i32
    %dma_start3A_13 = tpu.memref_slice %arg5[%dma_start3A_11, %dma_start3A_12] : memref<1000000x64xf32, #tpu.memory_space<hbm>> -> memref<1000000x64xf32, #tpu.memory_space<hbm>>
    tpu.enqueue_indirect_dma source(%dma_start3A_13 : memref<1000000x64xf32, #tpu.memory_space<hbm>>) target(%dma_start3A_7 : memref<104x64xf32, #tpu.memory_space<vmem>>) offsets(%dma_start3A_10 : memref<104xi32, #tpu.memory_space<vmem>>) semaphore(%arg15 : memref<!tpu.dma_semaphore, #tpu.memory_space<semaphore_mem>>)
    %dma_start3A_14 = arith.constant 0 : i32
    %dma_start3A_15 = arith.constant 0 : i32
    %dma_start3A_16 = arith.constant 104 : i32
    %dma_start3A_17 = arith.constant 0 : i32
    %dma_start3A_18 = tpu.memref_slice %arg12[%dma_start3A_15, %dma_start3A_16, %dma_start3A_17] : memref<4x200x64xf32, #tpu.memory_space<vmem>> -> memref<1x96x64xf32, #tpu.memory_space<vmem>>
    %dma_start3A_19 = tpu.memref_squeeze %dma_start3A_18 : memref<1x96x64xf32, #tpu.memory_space<vmem>> -> memref<96x64xf32, #tpu.memory_space<vmem>>
    %dma_start3A_20 = arith.constant 104 : i32
    %dma_start3A_21 = tpu.memref_slice %arg9[%dma_start3A_14, %dma_start3A_20] : memref<128x200xi32, #tpu.memory_space<vmem>> -> memref<1x96xi32, #tpu.memory_space<vmem>>
    %dma_start3A_22 = tpu.memref_squeeze %dma_start3A_21 : memref<1x96xi32, #tpu.memory_space<vmem>> -> memref<96xi32, #tpu.memory_space<vmem>>
    %dma_start3A_23 = arith.constant 0 : i32
    %dma_start3A_24 = arith.constant 0 : i32
    %dma_start3A_25 = tpu.memref_slice %arg5[%dma_start3A_23, %dma_start3A_24] : memref<1000000x64xf32, #tpu.memory_space<hbm>> -> memref<1000000x64xf32, #tpu.memory_space<hbm>>
    tpu.enqueue_indirect_dma source(%dma_start3A_25 : memref<1000000x64xf32, #tpu.memory_space<hbm>>) target(%dma_start3A_19 : memref<96x64xf32, #tpu.memory_space<vmem>>) offsets(%dma_start3A_22 : memref<96xi32, #tpu.memory_space<vmem>>) semaphore(%arg15 : memref<!tpu.dma_semaphore, #tpu.memory_space<semaphore_mem>>)
    %dma_start3A_26 = arith.constant 1 : i32
    %dma_start3A_27 = arith.constant 1 : i32
    %dma_start3A_28 = arith.constant 0 : i32
    %dma_start3A_29 = arith.constant 0 : i32
    %dma_start3A_30 = tpu.memref_slice %arg12[%dma_start3A_27, %dma_start3A_28, %dma_start3A_29] : memref<4x200x64xf32, #tpu.memory_space<vmem>> -> memref<1x104x64xf32, #tpu.memory_space<vmem>>
    %dma_start3A_31 = tpu.memref_squeeze %dma_start3A_30 : memref<1x104x64xf32, #tpu.memory_space<vmem>> -> memref<104x64xf32, #tpu.memory_space<vmem>>
    %dma_start3A_32 = arith.constant 0 : i32
    %dma_start3A_33 = tpu.memref_slice %arg9[%dma_start3A_26, %dma_start3A_32] : memref<128x200xi32, #tpu.memory_space<vmem>> -> memref<1x104xi32, #tpu.memory_space<vmem>>
    %dma_start3A_34 = tpu.memref_squeeze %dma_start3A_33 : memref<1x104xi32, #tpu.memory_space<vmem>> -> memref<104xi32, #tpu.memory_space<vmem>>
    %dma_start3A_35 = arith.constant 0 : i32
    %dma_start3A_36 = arith.constant 0 : i32
    %dma_start3A_37 = tpu.memref_slice %arg5[%dma_start3A_35, %dma_start3A_36] : memref<1000000x64xf32, #tpu.memory_space<hbm>> -> memref<1000000x64xf32, #tpu.memory_space<hbm>>
    tpu.enqueue_indirect_dma source(%dma_start3A_37 : memref<1000000x64xf32, #tpu.memory_space<hbm>>) target(%dma_start3A_31 : memref<104x64xf32, #tpu.memory_space<vmem>>) offsets(%dma_start3A_34 : memref<104xi32, #tpu.memory_space<vmem>>) semaphore(%arg16 : memref<!tpu.dma_semaphore, #tpu.memory_space<semaphore_mem>>)
    %dma_start3A_38 = arith.constant 1 : i32
    %dma_start3A_39 = arith.constant 1 : i32
    %dma_start3A_40 = arith.constant 104 : i32
    %dma_start3A_41 = arith.constant 0 : i32
    %dma_start3A_42 = tpu.memref_slice %arg12[%dma_start3A_39, %dma_start3A_40, %dma_start3A_41] : memref<4x200x64xf32, #tpu.memory_space<vmem>> -> memref<1x96x64xf32, #tpu.memory_space<vmem>>
    %dma_start3A_43 = tpu.memref_squeeze %dma_start3A_42 : memref<1x96x64xf32, #tpu.memory_space<vmem>> -> memref<96x64xf32, #tpu.memory_space<vmem>>
    %dma_start3A_44 = arith.constant 104 : i32
    %dma_start3A_45 = tpu.memref_slice %arg9[%dma_start3A_38, %dma_start3A_44] : memref<128x200xi32, #tpu.memory_space<vmem>> -> memref<1x96xi32, #tpu.memory_space<vmem>>
    %dma_start3A_46 = tpu.memref_squeeze %dma_start3A_45 : memref<1x96xi32, #tpu.memory_space<vmem>> -> memref<96xi32, #tpu.memory_space<vmem>>
    %dma_start3A_47 = arith.constant 0 : i32
    %dma_start3A_48 = arith.constant 0 : i32
    %dma_start3A_49 = tpu.memref_slice %arg5[%dma_start3A_47, %dma_start3A_48] : memref<1000000x64xf32, #tpu.memory_space<hbm>> -> memref<1000000x64xf32, #tpu.memory_space<hbm>>
    tpu.enqueue_indirect_dma source(%dma_start3A_49 : memref<1000000x64xf32, #tpu.memory_space<hbm>>) target(%dma_start3A_43 : memref<96x64xf32, #tpu.memory_space<vmem>>) offsets(%dma_start3A_46 : memref<96xi32, #tpu.memory_space<vmem>>) semaphore(%arg16 : memref<!tpu.dma_semaphore, #tpu.memory_space<semaphore_mem>>)
    %dma_start3A_50 = arith.constant 0 : i32
    %dma_start3A_51 = arith.constant 0 : i32
    %dma_start3A_52 = tpu.memref_slice %arg5[%dma_start3A_50, %dma_start3A_51] : memref<1000000x64xf32, #tpu.memory_space<hbm>> -> memref<1000000x64xf32, #tpu.memory_space<hbm>>
    tpu.enqueue_indirect_dma source(%dma_start3A_52 : memref<1000000x64xf32, #tpu.memory_space<hbm>>) target(%arg11 : memref<128x64xf32, #tpu.memory_space<vmem>>) offsets(%arg8 : memref<128xi32, #tpu.memory_space<vmem>>) semaphore(%arg14 : memref<!tpu.dma_semaphore, #tpu.memory_space<semaphore_mem>>)
    %scan3A = arith.constant 0 : i32
    %scan3A_53 = arith.constant 0 : i32
    %scan3A_54 = arith.constant 32 : i32
    %scan3A_55 = arith.addi %scan3A_53, %scan3A_54 : i32
    %scan3A_56 = arith.constant 1 : i32
    scf.for %scan3A_63 = %scan3A_53 to %scan3A_55 step %scan3A_56  : i32 {
      %mul3A_64 = arith.constant 4 : i32
      %mul3A_65 = arith.muli %mul3A_64, %scan3A_63 : i32
      %add3A_66 = arith.constant 0 : i32
      %add3A_67 = arith.addi %mul3A_65, %add3A_66 : i32
      %add3A_68 = arith.constant 2 : i32
      %add3A_69 = arith.addi %add3A_67, %add3A_68 : i32
      %lt3A = arith.constant 128 : i32
      %lt3A_70 = arith.cmpi slt, %add3A_69, %lt3A : i32
      %convert_element_type3A = arith.extui %lt3A_70 : i1 to i32
      %cond3A = arith.constant 0 : i32
      %cond3A_71 = arith.cmpi ne, %convert_element_type3A, %cond3A : i32
      scf.if %cond3A_71 {
        %add3A_393 = arith.constant 2 : i32
        %add3A_394 = arith.addi %add3A_67, %add3A_393 : i32
        %dma_start3A_395 = arith.constant 2 : i32
        %dma_start3A_396 = arith.constant 0 : i32
        %dma_start3A_397 = arith.constant 0 : i32
        %dma_start3A_398 = tpu.memref_slice %arg12[%dma_start3A_395, %dma_start3A_396, %dma_start3A_397] : memref<4x200x64xf32, #tpu.memory_space<vmem>> -> memref<1x104x64xf32, #tpu.memory_space<vmem>>
        %dma_start3A_399 = tpu.memref_squeeze %dma_start3A_398 : memref<1x104x64xf32, #tpu.memory_space<vmem>> -> memref<104x64xf32, #tpu.memory_space<vmem>>
        %dma_start3A_400 = arith.constant 0 : i32
        %dma_start3A_401 = tpu.memref_slice %arg9[%add3A_394, %dma_start3A_400] : memref<128x200xi32, #tpu.memory_space<vmem>> -> memref<1x104xi32, #tpu.memory_space<vmem>>
        %dma_start3A_402 = tpu.memref_squeeze %dma_start3A_401 : memref<1x104xi32, #tpu.memory_space<vmem>> -> memref<104xi32, #tpu.memory_space<vmem>>
        %dma_start3A_403 = arith.constant 0 : i32
        %dma_start3A_404 = arith.constant 0 : i32
        %dma_start3A_405 = tpu.memref_slice %arg5[%dma_start3A_403, %dma_start3A_404] : memref<1000000x64xf32, #tpu.memory_space<hbm>> -> memref<1000000x64xf32, #tpu.memory_space<hbm>>
        tpu.enqueue_indirect_dma source(%dma_start3A_405 : memref<1000000x64xf32, #tpu.memory_space<hbm>>) target(%dma_start3A_399 : memref<104x64xf32, #tpu.memory_space<vmem>>) offsets(%dma_start3A_402 : memref<104xi32, #tpu.memory_space<vmem>>) semaphore(%arg17 : memref<!tpu.dma_semaphore, #tpu.memory_space<semaphore_mem>>)
        %dma_start3A_406 = arith.constant 2 : i32
        %dma_start3A_407 = arith.constant 104 : i32
        %dma_start3A_408 = arith.constant 0 : i32
        %dma_start3A_409 = tpu.memref_slice %arg12[%dma_start3A_406, %dma_start3A_407, %dma_start3A_408] : memref<4x200x64xf32, #tpu.memory_space<vmem>> -> memref<1x96x64xf32, #tpu.memory_space<vmem>>
        %dma_start3A_410 = tpu.memref_squeeze %dma_start3A_409 : memref<1x96x64xf32, #tpu.memory_space<vmem>> -> memref<96x64xf32, #tpu.memory_space<vmem>>
        %dma_start3A_411 = arith.constant 104 : i32
        %dma_start3A_412 = tpu.memref_slice %arg9[%add3A_394, %dma_start3A_411] : memref<128x200xi32, #tpu.memory_space<vmem>> -> memref<1x96xi32, #tpu.memory_space<vmem>>
        %dma_start3A_413 = tpu.memref_squeeze %dma_start3A_412 : memref<1x96xi32, #tpu.memory_space<vmem>> -> memref<96xi32, #tpu.memory_space<vmem>>
        %dma_start3A_414 = arith.constant 0 : i32
        %dma_start3A_415 = arith.constant 0 : i32
        %dma_start3A_416 = tpu.memref_slice %arg5[%dma_start3A_414, %dma_start3A_415] : memref<1000000x64xf32, #tpu.memory_space<hbm>> -> memref<1000000x64xf32, #tpu.memory_space<hbm>>
        tpu.enqueue_indirect_dma source(%dma_start3A_416 : memref<1000000x64xf32, #tpu.memory_space<hbm>>) target(%dma_start3A_410 : memref<96x64xf32, #tpu.memory_space<vmem>>) offsets(%dma_start3A_413 : memref<96xi32, #tpu.memory_space<vmem>>) semaphore(%arg17 : memref<!tpu.dma_semaphore, #tpu.memory_space<semaphore_mem>>)
      } else {
      }
      %dma_wait3A_72 = arith.constant 0 : i32
      %dma_wait3A_73 = arith.constant 0 : i32
      %dma_wait3A_74 = arith.constant 0 : i32
      %dma_wait3A_75 = tpu.memref_slice %arg12[%dma_wait3A_72, %dma_wait3A_73, %dma_wait3A_74] : memref<4x200x64xf32, #tpu.memory_space<vmem>> -> memref<1x200x64xf32, #tpu.memory_space<vmem>>
      %dma_wait3A_76 = tpu.memref_squeeze %dma_wait3A_75 : memref<1x200x64xf32, #tpu.memory_space<vmem>> -> memref<200x64xf32, #tpu.memory_space<vmem>>
      %dma_wait3A_77 = arith.constant 0 : i32
      %dma_wait3A_78 = arith.constant 0 : i32
      %dma_wait3A_79 = tpu.memref_slice %arg5[%dma_wait3A_77, %dma_wait3A_78] : memref<1000000x64xf32, #tpu.memory_space<hbm>> -> memref<200x64xf32, #tpu.memory_space<hbm>>
      %dma_wait3A_80 = arith.constant 0 : i32
      %dma_wait3A_81 = arith.constant 0 : i32
      %dma_wait3A_82 = tpu.memref_slice %arg12[%dma_wait3A_72, %dma_wait3A_80, %dma_wait3A_81] : memref<4x200x64xf32, #tpu.memory_space<vmem>> -> memref<1x200x64xf32, #tpu.memory_space<vmem>>
      %dma_wait3A_83 = tpu.memref_squeeze %dma_wait3A_82 : memref<1x200x64xf32, #tpu.memory_space<vmem>> -> memref<200x64xf32, #tpu.memory_space<vmem>>
      %dma_wait3A_84 = arith.constant 0 : i32
      %dma_wait3A_85 = arith.constant 0 : i32
      %dma_wait3A_86 = tpu.memref_slice %arg5[%dma_wait3A_84, %dma_wait3A_85] : memref<1000000x64xf32, #tpu.memory_space<hbm>> -> memref<200x64xf32, #tpu.memory_space<hbm>>
      tpu.wait_dma2 semaphore(%arg15 : memref<!tpu.dma_semaphore, #tpu.memory_space<semaphore_mem>>) src(%dma_wait3A_86 : memref<200x64xf32, #tpu.memory_space<hbm>>) dst(%dma_wait3A_83 : memref<200x64xf32, #tpu.memory_space<vmem>>)
      %broadcast_in_dim3A = arith.constant 0.000000e+00 : f32
      %broadcast_in_dim3A_87 = vector.broadcast %broadcast_in_dim3A : f32 to vector<16xf32>
      %scan3A_88 = arith.constant 0 : i32
      %scan3A_89 = arith.constant 12 : i32
      %scan3A_90 = arith.addi %scan3A_88, %scan3A_89 : i32
      %scan3A_91 = arith.constant 1 : i32
      %scan3A_92 = scf.for %scan3A_393 = %scan3A_88 to %scan3A_90 step %scan3A_91 iter_args(%scan3A_394 = %broadcast_in_dim3A_87) -> (vector<16xf32>)  : i32 {
        %mul3A_395 = arith.constant 16 : i32
        %mul3A_396 = arith.muli %scan3A_393, %mul3A_395 : i32
        %get3A_397 = arith.index_cast %add3A_67 : i32 to index
        %get3A_398 = arith.index_cast %mul3A_396 : i32 to index
        %get3A_399 = tpu.vector_load %arg10[%get3A_397, %get3A_398] {strides = array<i32>} : memref<128x200xf32, #tpu.memory_space<vmem>>, vector<16xf32>,
        %add3A_400 = arith.addf %scan3A_394, %get3A_399 : vector<16xf32>
        scf.yield %add3A_400 : vector<16xf32>
      }
      %scan3A_93 = arith.constant 12 : i32
      %get3A = arith.index_cast %add3A_67 : i32 to index
      %get3A_94 = arith.constant 184 : index
      %get3A_95 = tpu.vector_load %arg10[%get3A, %get3A_94] {strides = array<i32>} : memref<128x200xf32, #tpu.memory_space<vmem>>, vector<16xf32>,
      %ge3A = arith.constant 8 : i32
      %ge3A_96 = vector.broadcast %ge3A : i32 to vector<16xi32>
      %ge3A_97 = arith.cmpi sge, %iota3A, %ge3A_96 : vector<16xi32>
      %jit3A = arith.constant 0.000000e+00 : f32
      %broadcast_in_dim3A_98 = vector.broadcast %jit3A : f32 to vector<16xf32>
      %select_n3A = arith.select %ge3A_97, %get3A_95, %broadcast_in_dim3A_98 : vector<16xi1>, vector<16xf32>
      %add3A_99 = arith.addf %scan3A_92, %select_n3A : vector<16xf32>
      %reduce_sum3A = arith.constant true
      %reduce_sum3A_100 = vector.broadcast %reduce_sum3A : i1 to vector<16xi1>
      %reduce_sum3A_101 = tpu.scan <sum>, %add3A_99 masked %reduce_sum3A_100 : vector<16xf32>, vector<16xi1> -> vector<16xf32>
      %reduce_sum3A_102 = vector.extract %reduce_sum3A_101[15] : f32 from vector<16xf32>
      %broadcast_in_dim3A_103 = arith.constant 9.99999971E-10 : f32
      %broadcast_in_dim3A_104 = vector.broadcast %broadcast_in_dim3A_103 : f32 to vector<16xf32>
      %add3A_105 = vector.broadcast %reduce_sum3A_102 : f32 to vector<16xf32>
      %add3A_106 = arith.addf %add3A_105, %broadcast_in_dim3A_104 : vector<16xf32>
      %broadcast_in_dim3A_107 = arith.constant 0.000000e+00 : f32
      %broadcast_in_dim3A_108 = vector.broadcast %broadcast_in_dim3A_107 : f32 to vector<16xf32>
      %broadcast_in_dim3A_109 = arith.constant 0.000000e+00 : f32
      %broadcast_in_dim3A_110 = vector.broadcast %broadcast_in_dim3A_109 : f32 to vector<16xf32>
      %broadcast_in_dim3A_111 = arith.constant 0.000000e+00 : f32
      %broadcast_in_dim3A_112 = vector.broadcast %broadcast_in_dim3A_111 : f32 to vector<16xf32>
      %broadcast_in_dim3A_113 = arith.constant 0.000000e+00 : f32
      %broadcast_in_dim3A_114 = vector.broadcast %broadcast_in_dim3A_113 : f32 to vector<16xf32>
      %scan3A_115 = arith.constant 0 : i32
      %scan3A_116 = arith.constant 200 : i32
      %scan3A_117 = arith.addi %scan3A_115, %scan3A_116 : i32
      %scan3A_118 = arith.constant 4 : i32
      %scan3A_119:4 = scf.for %scan3A_393 = %scan3A_115 to %scan3A_117 step %scan3A_118 iter_args(%scan3A_394 = %broadcast_in_dim3A_108, %scan3A_395 = %broadcast_in_dim3A_110, %scan3A_396 = %broadcast_in_dim3A_112, %scan3A_397 = %broadcast_in_dim3A_114) -> (vector<16xf32>, vector<16xf32>, vector<16xf32>, vector<16xf32>)  : i32 {
        %get3A_398 = arith.constant 0 : i32
        %get3A_399 = arith.index_cast %get3A_398 : i32 to index
        %get3A_400 = arith.index_cast %scan3A_393 : i32 to index
        %get3A_401 = arith.constant 0 : index
        %get3A_402 = tpu.vector_load %arg12[%get3A_399, %get3A_400, %get3A_401] {strides = array<i32>} : memref<4x200x64xf32, #tpu.memory_space<vmem>>, vector<16xf32>,
        %add3A_403 = arith.addf %scan3A_394, %get3A_402 : vector<16xf32>
        %get3A_404 = arith.constant 0 : i32
        %get3A_405 = arith.index_cast %get3A_404 : i32 to index
        %get3A_406 = arith.index_cast %scan3A_393 : i32 to index
        %get3A_407 = arith.constant 16 : index
        %get3A_408 = tpu.vector_load %arg12[%get3A_405, %get3A_406, %get3A_407] {strides = array<i32>} : memref<4x200x64xf32, #tpu.memory_space<vmem>>, vector<16xf32>,
        %add3A_409 = arith.addf %scan3A_395, %get3A_408 : vector<16xf32>
        %get3A_410 = arith.constant 0 : i32
        %get3A_411 = arith.index_cast %get3A_410 : i32 to index
        %get3A_412 = arith.index_cast %scan3A_393 : i32 to index
        %get3A_413 = arith.constant 32 : index
        %get3A_414 = tpu.vector_load %arg12[%get3A_411, %get3A_412, %get3A_413] {strides = array<i32>} : memref<4x200x64xf32, #tpu.memory_space<vmem>>, vector<16xf32>,
        %add3A_415 = arith.addf %scan3A_396, %get3A_414 : vector<16xf32>
        %get3A_416 = arith.constant 0 : i32
        %get3A_417 = arith.index_cast %get3A_416 : i32 to index
        %get3A_418 = arith.index_cast %scan3A_393 : i32 to index
        %get3A_419 = arith.constant 48 : index
        %get3A_420 = tpu.vector_load %arg12[%get3A_417, %get3A_418, %get3A_419] {strides = array<i32>} : memref<4x200x64xf32, #tpu.memory_space<vmem>>, vector<16xf32>,
        %add3A_421 = arith.addf %scan3A_397, %get3A_420 : vector<16xf32>
        %scan3A_422 = arith.constant 1 : i32
        %scan3A_423 = arith.addi %scan3A_393, %scan3A_422 : i32
        %get3A_424 = arith.constant 0 : i32
        %get3A_425 = arith.index_cast %get3A_424 : i32 to index
        %get3A_426 = arith.index_cast %scan3A_423 : i32 to index
        %get3A_427 = arith.constant 0 : index
        %get3A_428 = tpu.vector_load %arg12[%get3A_425, %get3A_426, %get3A_427] {strides = array<i32>} : memref<4x200x64xf32, #tpu.memory_space<vmem>>, vector<16xf32>,
        %add3A_429 = arith.addf %add3A_403, %get3A_428 : vector<16xf32>
        %get3A_430 = arith.constant 0 : i32
        %get3A_431 = arith.index_cast %get3A_430 : i32 to index
        %get3A_432 = arith.index_cast %scan3A_423 : i32 to index
        %get3A_433 = arith.constant 16 : index
        %get3A_434 = tpu.vector_load %arg12[%get3A_431, %get3A_432, %get3A_433] {strides = array<i32>} : memref<4x200x64xf32, #tpu.memory_space<vmem>>, vector<16xf32>,
        %add3A_435 = arith.addf %add3A_409, %get3A_434 : vector<16xf32>
        %get3A_436 = arith.constant 0 : i32
        %get3A_437 = arith.index_cast %get3A_436 : i32 to index
        %get3A_438 = arith.index_cast %scan3A_423 : i32 to index
        %get3A_439 = arith.constant 32 : index
        %get3A_440 = tpu.vector_load %arg12[%get3A_437, %get3A_438, %get3A_439] {strides = array<i32>} : memref<4x200x64xf32, #tpu.memory_space<vmem>>, vector<16xf32>,
        %add3A_441 = arith.addf %add3A_415, %get3A_440 : vector<16xf32>
        %get3A_442 = arith.constant 0 : i32
        %get3A_443 = arith.index_cast %get3A_442 : i32 to index
        %get3A_444 = arith.index_cast %scan3A_423 : i32 to index
        %get3A_445 = arith.constant 48 : index
        %get3A_446 = tpu.vector_load %arg12[%get3A_443, %get3A_444, %get3A_445] {strides = array<i32>} : memref<4x200x64xf32, #tpu.memory_space<vmem>>, vector<16xf32>,
        %add3A_447 = arith.addf %add3A_421, %get3A_446 : vector<16xf32>
        %scan3A_448 = arith.constant 2 : i32
        %scan3A_449 = arith.addi %scan3A_393, %scan3A_448 : i32
        %get3A_450 = arith.constant 0 : i32
        %get3A_451 = arith.index_cast %get3A_450 : i32 to index
        %get3A_452 = arith.index_cast %scan3A_449 : i32 to index
        %get3A_453 = arith.constant 0 : index
        %get3A_454 = tpu.vector_load %arg12[%get3A_451, %get3A_452, %get3A_453] {strides = array<i32>} : memref<4x200x64xf32, #tpu.memory_space<vmem>>, vector<16xf32>,
        %add3A_455 = arith.addf %add3A_429, %get3A_454 : vector<16xf32>
        %get3A_456 = arith.constant 0 : i32
        %get3A_457 = arith.index_cast %get3A_456 : i32 to index
        %get3A_458 = arith.index_cast %scan3A_449 : i32 to index
        %get3A_459 = arith.constant 16 : index
        %get3A_460 = tpu.vector_load %arg12[%get3A_457, %get3A_458, %get3A_459] {strides = array<i32>} : memref<4x200x64xf32, #tpu.memory_space<vmem>>, vector<16xf32>,
        %add3A_461 = arith.addf %add3A_435, %get3A_460 : vector<16xf32>
        %get3A_462 = arith.constant 0 : i32
        %get3A_463 = arith.index_cast %get3A_462 : i32 to index
        %get3A_464 = arith.index_cast %scan3A_449 : i32 to index
        %get3A_465 = arith.constant 32 : index
        %get3A_466 = tpu.vector_load %arg12[%get3A_463, %get3A_464, %get3A_465] {strides = array<i32>} : memref<4x200x64xf32, #tpu.memory_space<vmem>>, vector<16xf32>,
        %add3A_467 = arith.addf %add3A_441, %get3A_466 : vector<16xf32>
        %get3A_468 = arith.constant 0 : i32
        %get3A_469 = arith.index_cast %get3A_468 : i32 to index
        %get3A_470 = arith.index_cast %scan3A_449 : i32 to index
        %get3A_471 = arith.constant 48 : index
        %get3A_472 = tpu.vector_load %arg12[%get3A_469, %get3A_470, %get3A_471] {strides = array<i32>} : memref<4x200x64xf32, #tpu.memory_space<vmem>>, vector<16xf32>,
        %add3A_473 = arith.addf %add3A_447, %get3A_472 : vector<16xf32>
        %scan3A_474 = arith.constant 3 : i32
        %scan3A_475 = arith.addi %scan3A_393, %scan3A_474 : i32
        %get3A_476 = arith.constant 0 : i32
        %get3A_477 = arith.index_cast %get3A_476 : i32 to index
        %get3A_478 = arith.index_cast %scan3A_475 : i32 to index
        %get3A_479 = arith.constant 0 : index
        %get3A_480 = tpu.vector_load %arg12[%get3A_477, %get3A_478, %get3A_479] {strides = array<i32>} : memref<4x200x64xf32, #tpu.memory_space<vmem>>, vector<16xf32>,
        %add3A_481 = arith.addf %add3A_455, %get3A_480 : vector<16xf32>
        %get3A_482 = arith.constant 0 : i32
        %get3A_483 = arith.index_cast %get3A_482 : i32 to index
        %get3A_484 = arith.index_cast %scan3A_475 : i32 to index
        %get3A_485 = arith.constant 16 : index
        %get3A_486 = tpu.vector_load %arg12[%get3A_483, %get3A_484, %get3A_485] {strides = array<i32>} : memref<4x200x64xf32, #tpu.memory_space<vmem>>, vector<16xf32>,
        %add3A_487 = arith.addf %add3A_461, %get3A_486 : vector<16xf32>
        %get3A_488 = arith.constant 0 : i32
        %get3A_489 = arith.index_cast %get3A_488 : i32 to index
        %get3A_490 = arith.index_cast %scan3A_475 : i32 to index
        %get3A_491 = arith.constant 32 : index
        %get3A_492 = tpu.vector_load %arg12[%get3A_489, %get3A_490, %get3A_491] {strides = array<i32>} : memref<4x200x64xf32, #tpu.memory_space<vmem>>, vector<16xf32>,
        %add3A_493 = arith.addf %add3A_467, %get3A_492 : vector<16xf32>
        %get3A_494 = arith.constant 0 : i32
        %get3A_495 = arith.index_cast %get3A_494 : i32 to index
        %get3A_496 = arith.index_cast %scan3A_475 : i32 to index
        %get3A_497 = arith.constant 48 : index
        %get3A_498 = tpu.vector_load %arg12[%get3A_495, %get3A_496, %get3A_497] {strides = array<i32>} : memref<4x200x64xf32, #tpu.memory_space<vmem>>, vector<16xf32>,
        %add3A_499 = arith.addf %add3A_473, %get3A_498 : vector<16xf32>
        scf.yield %add3A_481, %add3A_487, %add3A_493, %add3A_499 : vector<16xf32>, vector<16xf32>, vector<16xf32>, vector<16xf32>
      }
      %scan3A_120 = arith.constant 200 : i32
      %broadcast_in_dim3A_121 = arith.constant 1.000000e+00 : f32
      %broadcast_in_dim3A_122 = vector.broadcast %broadcast_in_dim3A_121 : f32 to vector<16xf32>
      %div3A = arith.divf %broadcast_in_dim3A_122, %add3A_106 : vector<16xf32>
      %mul3A_123 = arith.mulf %scan3A_119#0, %div3A : vector<16xf32>
      %swap3A = arith.index_cast %add3A_67 : i32 to index
      %swap3A_124 = arith.constant 0 : index
      %swap3A_125 = tpu.vector_load %arg13[%swap3A, %swap3A_124] {strides = array<i32>} : memref<128x64xf32, #tpu.memory_space<vmem>>, vector<16xf32>,
      tpu.vector_store %arg13[%swap3A, %swap3A_124], %mul3A_123 {strides = array<i32>} : memref<128x64xf32, #tpu.memory_space<vmem>>, vector<16xf32>,
      %mul3A_126 = arith.mulf %scan3A_119#1, %div3A : vector<16xf32>
      %swap3A_127 = arith.index_cast %add3A_67 : i32 to index
      %swap3A_128 = arith.constant 16 : index
      %swap3A_129 = tpu.vector_load %arg13[%swap3A_127, %swap3A_128] {strides = array<i32>} : memref<128x64xf32, #tpu.memory_space<vmem>>, vector<16xf32>,
      tpu.vector_store %arg13[%swap3A_127, %swap3A_128], %mul3A_126 {strides = array<i32>} : memref<128x64xf32, #tpu.memory_space<vmem>>, vector<16xf32>,
      %mul3A_130 = arith.mulf %scan3A_119#2, %div3A : vector<16xf32>
      %swap3A_131 = arith.index_cast %add3A_67 : i32 to index
      %swap3A_132 = arith.constant 32 : index
      %swap3A_133 = tpu.vector_load %arg13[%swap3A_131, %swap3A_132] {strides = array<i32>} : memref<128x64xf32, #tpu.memory_space<vmem>>, vector<16xf32>,
      tpu.vector_store %arg13[%swap3A_131, %swap3A_132], %mul3A_130 {strides = array<i32>} : memref<128x64xf32, #tpu.memory_space<vmem>>, vector<16xf32>,
      %mul3A_134 = arith.mulf %scan3A_119#3, %div3A : vector<16xf32>
      %swap3A_135 = arith.index_cast %add3A_67 : i32 to index
      %swap3A_136 = arith.constant 48 : index
      %swap3A_137 = tpu.vector_load %arg13[%swap3A_135, %swap3A_136] {strides = array<i32>} : memref<128x64xf32, #tpu.memory_space<vmem>>, vector<16xf32>,
      tpu.vector_store %arg13[%swap3A_135, %swap3A_136], %mul3A_134 {strides = array<i32>} : memref<128x64xf32, #tpu.memory_space<vmem>>, vector<16xf32>,
      %mul3A_138 = arith.constant 4 : i32
      %mul3A_139 = arith.muli %mul3A_138, %scan3A_63 : i32
      %add3A_140 = arith.constant 1 : i32
      %add3A_141 = arith.addi %mul3A_139, %add3A_140 : i32
      %add3A_142 = arith.constant 2 : i32
      %add3A_143 = arith.addi %add3A_141, %add3A_142 : i32
      %lt3A_144 = arith.constant 128 : i32
      %lt3A_145 = arith.cmpi slt, %add3A_143, %lt3A_144 : i32
      %convert_element_type3A_146 = arith.extui %lt3A_145 : i1 to i32
      %cond3A_147 = arith.constant 0 : i32
      %cond3A_148 = arith.cmpi ne, %convert_element_type3A_146, %cond3A_147 : i32
      scf.if %cond3A_148 {
        %add3A_393 = arith.constant 2 : i32
        %add3A_394 = arith.addi %add3A_141, %add3A_393 : i32
        %dma_start3A_395 = arith.constant 3 : i32
        %dma_start3A_396 = arith.constant 0 : i32
        %dma_start3A_397 = arith.constant 0 : i32
        %dma_start3A_398 = tpu.memref_slice %arg12[%dma_start3A_395, %dma_start3A_396, %dma_start3A_397] : memref<4x200x64xf32, #tpu.memory_space<vmem>> -> memref<1x104x64xf32, #tpu.memory_space<vmem>>
        %dma_start3A_399 = tpu.memref_squeeze %dma_start3A_398 : memref<1x104x64xf32, #tpu.memory_space<vmem>> -> memref<104x64xf32, #tpu.memory_space<vmem>>
        %dma_start3A_400 = arith.constant 0 : i32
        %dma_start3A_401 = tpu.memref_slice %arg9[%add3A_394, %dma_start3A_400] : memref<128x200xi32, #tpu.memory_space<vmem>> -> memref<1x104xi32, #tpu.memory_space<vmem>>
        %dma_start3A_402 = tpu.memref_squeeze %dma_start3A_401 : memref<1x104xi32, #tpu.memory_space<vmem>> -> memref<104xi32, #tpu.memory_space<vmem>>
        %dma_start3A_403 = arith.constant 0 : i32
        %dma_start3A_404 = arith.constant 0 : i32
        %dma_start3A_405 = tpu.memref_slice %arg5[%dma_start3A_403, %dma_start3A_404] : memref<1000000x64xf32, #tpu.memory_space<hbm>> -> memref<1000000x64xf32, #tpu.memory_space<hbm>>
        tpu.enqueue_indirect_dma source(%dma_start3A_405 : memref<1000000x64xf32, #tpu.memory_space<hbm>>) target(%dma_start3A_399 : memref<104x64xf32, #tpu.memory_space<vmem>>) offsets(%dma_start3A_402 : memref<104xi32, #tpu.memory_space<vmem>>) semaphore(%arg18 : memref<!tpu.dma_semaphore, #tpu.memory_space<semaphore_mem>>)
        %dma_start3A_406 = arith.constant 3 : i32
        %dma_start3A_407 = arith.constant 104 : i32
        %dma_start3A_408 = arith.constant 0 : i32
        %dma_start3A_409 = tpu.memref_slice %arg12[%dma_start3A_406, %dma_start3A_407, %dma_start3A_408] : memref<4x200x64xf32, #tpu.memory_space<vmem>> -> memref<1x96x64xf32, #tpu.memory_space<vmem>>
        %dma_start3A_410 = tpu.memref_squeeze %dma_start3A_409 : memref<1x96x64xf32, #tpu.memory_space<vmem>> -> memref<96x64xf32, #tpu.memory_space<vmem>>
        %dma_start3A_411 = arith.constant 104 : i32
        %dma_start3A_412 = tpu.memref_slice %arg9[%add3A_394, %dma_start3A_411] : memref<128x200xi32, #tpu.memory_space<vmem>> -> memref<1x96xi32, #tpu.memory_space<vmem>>
        %dma_start3A_413 = tpu.memref_squeeze %dma_start3A_412 : memref<1x96xi32, #tpu.memory_space<vmem>> -> memref<96xi32, #tpu.memory_space<vmem>>
        %dma_start3A_414 = arith.constant 0 : i32
        %dma_start3A_415 = arith.constant 0 : i32
        %dma_start3A_416 = tpu.memref_slice %arg5[%dma_start3A_414, %dma_start3A_415] : memref<1000000x64xf32, #tpu.memory_space<hbm>> -> memref<1000000x64xf32, #tpu.memory_space<hbm>>
        tpu.enqueue_indirect_dma source(%dma_start3A_416 : memref<1000000x64xf32, #tpu.memory_space<hbm>>) target(%dma_start3A_410 : memref<96x64xf32, #tpu.memory_space<vmem>>) offsets(%dma_start3A_413 : memref<96xi32, #tpu.memory_space<vmem>>) semaphore(%arg18 : memref<!tpu.dma_semaphore, #tpu.memory_space<semaphore_mem>>)
      } else {
      }
      %dma_wait3A_149 = arith.constant 1 : i32
      %dma_wait3A_150 = arith.constant 0 : i32
      %dma_wait3A_151 = arith.constant 0 : i32
      %dma_wait3A_152 = tpu.memref_slice %arg12[%dma_wait3A_149, %dma_wait3A_150, %dma_wait3A_151] : memref<4x200x64xf32, #tpu.memory_space<vmem>> -> memref<1x200x64xf32, #tpu.memory_space<vmem>>
      %dma_wait3A_153 = tpu.memref_squeeze %dma_wait3A_152 : memref<1x200x64xf32, #tpu.memory_space<vmem>> -> memref<200x64xf32, #tpu.memory_space<vmem>>
      %dma_wait3A_154 = arith.constant 0 : i32
      %dma_wait3A_155 = arith.constant 0 : i32
      %dma_wait3A_156 = tpu.memref_slice %arg5[%dma_wait3A_154, %dma_wait3A_155] : memref<1000000x64xf32, #tpu.memory_space<hbm>> -> memref<200x64xf32, #tpu.memory_space<hbm>>
      %dma_wait3A_157 = arith.constant 0 : i32
      %dma_wait3A_158 = arith.constant 0 : i32
      %dma_wait3A_159 = tpu.memref_slice %arg12[%dma_wait3A_149, %dma_wait3A_157, %dma_wait3A_158] : memref<4x200x64xf32, #tpu.memory_space<vmem>> -> memref<1x200x64xf32, #tpu.memory_space<vmem>>
      %dma_wait3A_160 = tpu.memref_squeeze %dma_wait3A_159 : memref<1x200x64xf32, #tpu.memory_space<vmem>> -> memref<200x64xf32, #tpu.memory_space<vmem>>
      %dma_wait3A_161 = arith.constant 0 : i32
      %dma_wait3A_162 = arith.constant 0 : i32
      %dma_wait3A_163 = tpu.memref_slice %arg5[%dma_wait3A_161, %dma_wait3A_162] : memref<1000000x64xf32, #tpu.memory_space<hbm>> -> memref<200x64xf32, #tpu.memory_space<hbm>>
      tpu.wait_dma2 semaphore(%arg16 : memref<!tpu.dma_semaphore, #tpu.memory_space<semaphore_mem>>) src(%dma_wait3A_163 : memref<200x64xf32, #tpu.memory_space<hbm>>) dst(%dma_wait3A_160 : memref<200x64xf32, #tpu.memory_space<vmem>>)
      %broadcast_in_dim3A_164 = arith.constant 0.000000e+00 : f32
      %broadcast_in_dim3A_165 = vector.broadcast %broadcast_in_dim3A_164 : f32 to vector<16xf32>
      %scan3A_166 = arith.constant 0 : i32
      %scan3A_167 = arith.constant 12 : i32
      %scan3A_168 = arith.addi %scan3A_166, %scan3A_167 : i32
      %scan3A_169 = arith.constant 1 : i32
      %scan3A_170 = scf.for %scan3A_393 = %scan3A_166 to %scan3A_168 step %scan3A_169 iter_args(%scan3A_394 = %broadcast_in_dim3A_165) -> (vector<16xf32>)  : i32 {
        %mul3A_395 = arith.constant 16 : i32
        %mul3A_396 = arith.muli %scan3A_393, %mul3A_395 : i32
        %get3A_397 = arith.index_cast %add3A_141 : i32 to index
        %get3A_398 = arith.index_cast %mul3A_396 : i32 to index
        %get3A_399 = tpu.vector_load %arg10[%get3A_397, %get3A_398] {strides = array<i32>} : memref<128x200xf32, #tpu.memory_space<vmem>>, vector<16xf32>,
        %add3A_400 = arith.addf %scan3A_394, %get3A_399 : vector<16xf32>
        scf.yield %add3A_400 : vector<16xf32>
      }
      %scan3A_171 = arith.constant 12 : i32
      %get3A_172 = arith.index_cast %add3A_141 : i32 to index
      %get3A_173 = arith.constant 184 : index
      %get3A_174 = tpu.vector_load %arg10[%get3A_172, %get3A_173] {strides = array<i32>} : memref<128x200xf32, #tpu.memory_space<vmem>>, vector<16xf32>,
      %ge3A_175 = arith.constant 8 : i32
      %ge3A_176 = vector.broadcast %ge3A_175 : i32 to vector<16xi32>
      %ge3A_177 = arith.cmpi sge, %iota3A, %ge3A_176 : vector<16xi32>
      %jit3A_178 = arith.constant 0.000000e+00 : f32
      %broadcast_in_dim3A_179 = vector.broadcast %jit3A_178 : f32 to vector<16xf32>
      %select_n3A_180 = arith.select %ge3A_177, %get3A_174, %broadcast_in_dim3A_179 : vector<16xi1>, vector<16xf32>
      %add3A_181 = arith.addf %scan3A_170, %select_n3A_180 : vector<16xf32>
      %reduce_sum3A_182 = arith.constant true
      %reduce_sum3A_183 = vector.broadcast %reduce_sum3A_182 : i1 to vector<16xi1>
      %reduce_sum3A_184 = tpu.scan <sum>, %add3A_181 masked %reduce_sum3A_183 : vector<16xf32>, vector<16xi1> -> vector<16xf32>
      %reduce_sum3A_185 = vector.extract %reduce_sum3A_184[15] : f32 from vector<16xf32>
      %broadcast_in_dim3A_186 = arith.constant 9.99999971E-10 : f32
      %broadcast_in_dim3A_187 = vector.broadcast %broadcast_in_dim3A_186 : f32 to vector<16xf32>
      %add3A_188 = vector.broadcast %reduce_sum3A_185 : f32 to vector<16xf32>
      %add3A_189 = arith.addf %add3A_188, %broadcast_in_dim3A_187 : vector<16xf32>
      %broadcast_in_dim3A_190 = arith.constant 0.000000e+00 : f32
      %broadcast_in_dim3A_191 = vector.broadcast %broadcast_in_dim3A_190 : f32 to vector<16xf32>
      %broadcast_in_dim3A_192 = arith.constant 0.000000e+00 : f32
      %broadcast_in_dim3A_193 = vector.broadcast %broadcast_in_dim3A_192 : f32 to vector<16xf32>
      %broadcast_in_dim3A_194 = arith.constant 0.000000e+00 : f32
      %broadcast_in_dim3A_195 = vector.broadcast %broadcast_in_dim3A_194 : f32 to vector<16xf32>
      %broadcast_in_dim3A_196 = arith.constant 0.000000e+00 : f32
      %broadcast_in_dim3A_197 = vector.broadcast %broadcast_in_dim3A_196 : f32 to vector<16xf32>
      %scan3A_198 = arith.constant 0 : i32
      %scan3A_199 = arith.constant 200 : i32
      %scan3A_200 = arith.addi %scan3A_198, %scan3A_199 : i32
      %scan3A_201 = arith.constant 4 : i32
      %scan3A_202:4 = scf.for %scan3A_393 = %scan3A_198 to %scan3A_200 step %scan3A_201 iter_args(%scan3A_394 = %broadcast_in_dim3A_191, %scan3A_395 = %broadcast_in_dim3A_193, %scan3A_396 = %broadcast_in_dim3A_195, %scan3A_397 = %broadcast_in_dim3A_197) -> (vector<16xf32>, vector<16xf32>, vector<16xf32>, vector<16xf32>)  : i32 {
        %get3A_398 = arith.constant 1 : i32
        %get3A_399 = arith.index_cast %get3A_398 : i32 to index
        %get3A_400 = arith.index_cast %scan3A_393 : i32 to index
        %get3A_401 = arith.constant 0 : index
        %get3A_402 = tpu.vector_load %arg12[%get3A_399, %get3A_400, %get3A_401] {strides = array<i32>} : memref<4x200x64xf32, #tpu.memory_space<vmem>>, vector<16xf32>,
        %add3A_403 = arith.addf %scan3A_394, %get3A_402 : vector<16xf32>
        %get3A_404 = arith.constant 1 : i32
        %get3A_405 = arith.index_cast %get3A_404 : i32 to index
        %get3A_406 = arith.index_cast %scan3A_393 : i32 to index
        %get3A_407 = arith.constant 16 : index
        %get3A_408 = tpu.vector_load %arg12[%get3A_405, %get3A_406, %get3A_407] {strides = array<i32>} : memref<4x200x64xf32, #tpu.memory_space<vmem>>, vector<16xf32>,
        %add3A_409 = arith.addf %scan3A_395, %get3A_408 : vector<16xf32>
        %get3A_410 = arith.constant 1 : i32
        %get3A_411 = arith.index_cast %get3A_410 : i32 to index
        %get3A_412 = arith.index_cast %scan3A_393 : i32 to index
        %get3A_413 = arith.constant 32 : index
        %get3A_414 = tpu.vector_load %arg12[%get3A_411, %get3A_412, %get3A_413] {strides = array<i32>} : memref<4x200x64xf32, #tpu.memory_space<vmem>>, vector<16xf32>,
        %add3A_415 = arith.addf %scan3A_396, %get3A_414 : vector<16xf32>
        %get3A_416 = arith.constant 1 : i32
        %get3A_417 = arith.index_cast %get3A_416 : i32 to index
        %get3A_418 = arith.index_cast %scan3A_393 : i32 to index
        %get3A_419 = arith.constant 48 : index
        %get3A_420 = tpu.vector_load %arg12[%get3A_417, %get3A_418, %get3A_419] {strides = array<i32>} : memref<4x200x64xf32, #tpu.memory_space<vmem>>, vector<16xf32>,
        %add3A_421 = arith.addf %scan3A_397, %get3A_420 : vector<16xf32>
        %scan3A_422 = arith.constant 1 : i32
        %scan3A_423 = arith.addi %scan3A_393, %scan3A_422 : i32
        %get3A_424 = arith.constant 1 : i32
        %get3A_425 = arith.index_cast %get3A_424 : i32 to index
        %get3A_426 = arith.index_cast %scan3A_423 : i32 to index
        %get3A_427 = arith.constant 0 : index
        %get3A_428 = tpu.vector_load %arg12[%get3A_425, %get3A_426, %get3A_427] {strides = array<i32>} : memref<4x200x64xf32, #tpu.memory_space<vmem>>, vector<16xf32>,
        %add3A_429 = arith.addf %add3A_403, %get3A_428 : vector<16xf32>
        %get3A_430 = arith.constant 1 : i32
        %get3A_431 = arith.index_cast %get3A_430 : i32 to index
        %get3A_432 = arith.index_cast %scan3A_423 : i32 to index
        %get3A_433 = arith.constant 16 : index
        %get3A_434 = tpu.vector_load %arg12[%get3A_431, %get3A_432, %get3A_433] {strides = array<i32>} : memref<4x200x64xf32, #tpu.memory_space<vmem>>, vector<16xf32>,
        %add3A_435 = arith.addf %add3A_409, %get3A_434 : vector<16xf32>
        %get3A_436 = arith.constant 1 : i32
        %get3A_437 = arith.index_cast %get3A_436 : i32 to index
        %get3A_438 = arith.index_cast %scan3A_423 : i32 to index
        %get3A_439 = arith.constant 32 : index
        %get3A_440 = tpu.vector_load %arg12[%get3A_437, %get3A_438, %get3A_439] {strides = array<i32>} : memref<4x200x64xf32, #tpu.memory_space<vmem>>, vector<16xf32>,
        %add3A_441 = arith.addf %add3A_415, %get3A_440 : vector<16xf32>
        %get3A_442 = arith.constant 1 : i32
        %get3A_443 = arith.index_cast %get3A_442 : i32 to index
        %get3A_444 = arith.index_cast %scan3A_423 : i32 to index
        %get3A_445 = arith.constant 48 : index
        %get3A_446 = tpu.vector_load %arg12[%get3A_443, %get3A_444, %get3A_445] {strides = array<i32>} : memref<4x200x64xf32, #tpu.memory_space<vmem>>, vector<16xf32>,
        %add3A_447 = arith.addf %add3A_421, %get3A_446 : vector<16xf32>
        %scan3A_448 = arith.constant 2 : i32
        %scan3A_449 = arith.addi %scan3A_393, %scan3A_448 : i32
        %get3A_450 = arith.constant 1 : i32
        %get3A_451 = arith.index_cast %get3A_450 : i32 to index
        %get3A_452 = arith.index_cast %scan3A_449 : i32 to index
        %get3A_453 = arith.constant 0 : index
        %get3A_454 = tpu.vector_load %arg12[%get3A_451, %get3A_452, %get3A_453] {strides = array<i32>} : memref<4x200x64xf32, #tpu.memory_space<vmem>>, vector<16xf32>,
        %add3A_455 = arith.addf %add3A_429, %get3A_454 : vector<16xf32>
        %get3A_456 = arith.constant 1 : i32
        %get3A_457 = arith.index_cast %get3A_456 : i32 to index
        %get3A_458 = arith.index_cast %scan3A_449 : i32 to index
        %get3A_459 = arith.constant 16 : index
        %get3A_460 = tpu.vector_load %arg12[%get3A_457, %get3A_458, %get3A_459] {strides = array<i32>} : memref<4x200x64xf32, #tpu.memory_space<vmem>>, vector<16xf32>,
        %add3A_461 = arith.addf %add3A_435, %get3A_460 : vector<16xf32>
        %get3A_462 = arith.constant 1 : i32
        %get3A_463 = arith.index_cast %get3A_462 : i32 to index
        %get3A_464 = arith.index_cast %scan3A_449 : i32 to index
        %get3A_465 = arith.constant 32 : index
        %get3A_466 = tpu.vector_load %arg12[%get3A_463, %get3A_464, %get3A_465] {strides = array<i32>} : memref<4x200x64xf32, #tpu.memory_space<vmem>>, vector<16xf32>,
        %add3A_467 = arith.addf %add3A_441, %get3A_466 : vector<16xf32>
        %get3A_468 = arith.constant 1 : i32
        %get3A_469 = arith.index_cast %get3A_468 : i32 to index
        %get3A_470 = arith.index_cast %scan3A_449 : i32 to index
        %get3A_471 = arith.constant 48 : index
        %get3A_472 = tpu.vector_load %arg12[%get3A_469, %get3A_470, %get3A_471] {strides = array<i32>} : memref<4x200x64xf32, #tpu.memory_space<vmem>>, vector<16xf32>,
        %add3A_473 = arith.addf %add3A_447, %get3A_472 : vector<16xf32>
        %scan3A_474 = arith.constant 3 : i32
        %scan3A_475 = arith.addi %scan3A_393, %scan3A_474 : i32
        %get3A_476 = arith.constant 1 : i32
        %get3A_477 = arith.index_cast %get3A_476 : i32 to index
        %get3A_478 = arith.index_cast %scan3A_475 : i32 to index
        %get3A_479 = arith.constant 0 : index
        %get3A_480 = tpu.vector_load %arg12[%get3A_477, %get3A_478, %get3A_479] {strides = array<i32>} : memref<4x200x64xf32, #tpu.memory_space<vmem>>, vector<16xf32>,
        %add3A_481 = arith.addf %add3A_455, %get3A_480 : vector<16xf32>
        %get3A_482 = arith.constant 1 : i32
        %get3A_483 = arith.index_cast %get3A_482 : i32 to index
        %get3A_484 = arith.index_cast %scan3A_475 : i32 to index
        %get3A_485 = arith.constant 16 : index
        %get3A_486 = tpu.vector_load %arg12[%get3A_483, %get3A_484, %get3A_485] {strides = array<i32>} : memref<4x200x64xf32, #tpu.memory_space<vmem>>, vector<16xf32>,
        %add3A_487 = arith.addf %add3A_461, %get3A_486 : vector<16xf32>
        %get3A_488 = arith.constant 1 : i32
        %get3A_489 = arith.index_cast %get3A_488 : i32 to index
        %get3A_490 = arith.index_cast %scan3A_475 : i32 to index
        %get3A_491 = arith.constant 32 : index
        %get3A_492 = tpu.vector_load %arg12[%get3A_489, %get3A_490, %get3A_491] {strides = array<i32>} : memref<4x200x64xf32, #tpu.memory_space<vmem>>, vector<16xf32>,
        %add3A_493 = arith.addf %add3A_467, %get3A_492 : vector<16xf32>
        %get3A_494 = arith.constant 1 : i32
        %get3A_495 = arith.index_cast %get3A_494 : i32 to index
        %get3A_496 = arith.index_cast %scan3A_475 : i32 to index
        %get3A_497 = arith.constant 48 : index
        %get3A_498 = tpu.vector_load %arg12[%get3A_495, %get3A_496, %get3A_497] {strides = array<i32>} : memref<4x200x64xf32, #tpu.memory_space<vmem>>, vector<16xf32>,
        %add3A_499 = arith.addf %add3A_473, %get3A_498 : vector<16xf32>
        scf.yield %add3A_481, %add3A_487, %add3A_493, %add3A_499 : vector<16xf32>, vector<16xf32>, vector<16xf32>, vector<16xf32>
      }
      %scan3A_203 = arith.constant 200 : i32
      %broadcast_in_dim3A_204 = arith.constant 1.000000e+00 : f32
      %broadcast_in_dim3A_205 = vector.broadcast %broadcast_in_dim3A_204 : f32 to vector<16xf32>
      %div3A_206 = arith.divf %broadcast_in_dim3A_205, %add3A_189 : vector<16xf32>
      %mul3A_207 = arith.mulf %scan3A_202#0, %div3A_206 : vector<16xf32>
      %swap3A_208 = arith.index_cast %add3A_141 : i32 to index
      %swap3A_209 = arith.constant 0 : index
      %swap3A_210 = tpu.vector_load %arg13[%swap3A_208, %swap3A_209] {strides = array<i32>} : memref<128x64xf32, #tpu.memory_space<vmem>>, vector<16xf32>,
      tpu.vector_store %arg13[%swap3A_208, %swap3A_209], %mul3A_207 {strides = array<i32>} : memref<128x64xf32, #tpu.memory_space<vmem>>, vector<16xf32>,
      %mul3A_211 = arith.mulf %scan3A_202#1, %div3A_206 : vector<16xf32>
      %swap3A_212 = arith.index_cast %add3A_141 : i32 to index
      %swap3A_213 = arith.constant 16 : index
      %swap3A_214 = tpu.vector_load %arg13[%swap3A_212, %swap3A_213] {strides = array<i32>} : memref<128x64xf32, #tpu.memory_space<vmem>>, vector<16xf32>,
      tpu.vector_store %arg13[%swap3A_212, %swap3A_213], %mul3A_211 {strides = array<i32>} : memref<128x64xf32, #tpu.memory_space<vmem>>, vector<16xf32>,
      %mul3A_215 = arith.mulf %scan3A_202#2, %div3A_206 : vector<16xf32>
      %swap3A_216 = arith.index_cast %add3A_141 : i32 to index
      %swap3A_217 = arith.constant 32 : index
      %swap3A_218 = tpu.vector_load %arg13[%swap3A_216, %swap3A_217] {strides = array<i32>} : memref<128x64xf32, #tpu.memory_space<vmem>>, vector<16xf32>,
      tpu.vector_store %arg13[%swap3A_216, %swap3A_217], %mul3A_215 {strides = array<i32>} : memref<128x64xf32, #tpu.memory_space<vmem>>, vector<16xf32>,
      %mul3A_219 = arith.mulf %scan3A_202#3, %div3A_206 : vector<16xf32>
      %swap3A_220 = arith.index_cast %add3A_141 : i32 to index
      %swap3A_221 = arith.constant 48 : index
      %swap3A_222 = tpu.vector_load %arg13[%swap3A_220, %swap3A_221] {strides = array<i32>} : memref<128x64xf32, #tpu.memory_space<vmem>>, vector<16xf32>,
      tpu.vector_store %arg13[%swap3A_220, %swap3A_221], %mul3A_219 {strides = array<i32>} : memref<128x64xf32, #tpu.memory_space<vmem>>, vector<16xf32>,
      %mul3A_223 = arith.constant 4 : i32
      %mul3A_224 = arith.muli %mul3A_223, %scan3A_63 : i32
      %add3A_225 = arith.constant 2 : i32
      %add3A_226 = arith.addi %mul3A_224, %add3A_225 : i32
      %add3A_227 = arith.constant 2 : i32
      %add3A_228 = arith.addi %add3A_226, %add3A_227 : i32
      %lt3A_229 = arith.constant 128 : i32
      %lt3A_230 = arith.cmpi slt, %add3A_228, %lt3A_229 : i32
      %convert_element_type3A_231 = arith.extui %lt3A_230 : i1 to i32
      %cond3A_232 = arith.constant 0 : i32
      %cond3A_233 = arith.cmpi ne, %convert_element_type3A_231, %cond3A_232 : i32
      scf.if %cond3A_233 {
        %add3A_393 = arith.constant 2 : i32
        %add3A_394 = arith.addi %add3A_226, %add3A_393 : i32
        %dma_start3A_395 = arith.constant 0 : i32
        %dma_start3A_396 = arith.constant 0 : i32
        %dma_start3A_397 = arith.constant 0 : i32
        %dma_start3A_398 = tpu.memref_slice %arg12[%dma_start3A_395, %dma_start3A_396, %dma_start3A_397] : memref<4x200x64xf32, #tpu.memory_space<vmem>> -> memref<1x104x64xf32, #tpu.memory_space<vmem>>
        %dma_start3A_399 = tpu.memref_squeeze %dma_start3A_398 : memref<1x104x64xf32, #tpu.memory_space<vmem>> -> memref<104x64xf32, #tpu.memory_space<vmem>>
        %dma_start3A_400 = arith.constant 0 : i32
        %dma_start3A_401 = tpu.memref_slice %arg9[%add3A_394, %dma_start3A_400] : memref<128x200xi32, #tpu.memory_space<vmem>> -> memref<1x104xi32, #tpu.memory_space<vmem>>
        %dma_start3A_402 = tpu.memref_squeeze %dma_start3A_401 : memref<1x104xi32, #tpu.memory_space<vmem>> -> memref<104xi32, #tpu.memory_space<vmem>>
        %dma_start3A_403 = arith.constant 0 : i32
        %dma_start3A_404 = arith.constant 0 : i32
        %dma_start3A_405 = tpu.memref_slice %arg5[%dma_start3A_403, %dma_start3A_404] : memref<1000000x64xf32, #tpu.memory_space<hbm>> -> memref<1000000x64xf32, #tpu.memory_space<hbm>>
        tpu.enqueue_indirect_dma source(%dma_start3A_405 : memref<1000000x64xf32, #tpu.memory_space<hbm>>) target(%dma_start3A_399 : memref<104x64xf32, #tpu.memory_space<vmem>>) offsets(%dma_start3A_402 : memref<104xi32, #tpu.memory_space<vmem>>) semaphore(%arg15 : memref<!tpu.dma_semaphore, #tpu.memory_space<semaphore_mem>>)
        %dma_start3A_406 = arith.constant 0 : i32
        %dma_start3A_407 = arith.constant 104 : i32
        %dma_start3A_408 = arith.constant 0 : i32
        %dma_start3A_409 = tpu.memref_slice %arg12[%dma_start3A_406, %dma_start3A_407, %dma_start3A_408] : memref<4x200x64xf32, #tpu.memory_space<vmem>> -> memref<1x96x64xf32, #tpu.memory_space<vmem>>
        %dma_start3A_410 = tpu.memref_squeeze %dma_start3A_409 : memref<1x96x64xf32, #tpu.memory_space<vmem>> -> memref<96x64xf32, #tpu.memory_space<vmem>>
        %dma_start3A_411 = arith.constant 104 : i32
        %dma_start3A_412 = tpu.memref_slice %arg9[%add3A_394, %dma_start3A_411] : memref<128x200xi32, #tpu.memory_space<vmem>> -> memref<1x96xi32, #tpu.memory_space<vmem>>
        %dma_start3A_413 = tpu.memref_squeeze %dma_start3A_412 : memref<1x96xi32, #tpu.memory_space<vmem>> -> memref<96xi32, #tpu.memory_space<vmem>>
        %dma_start3A_414 = arith.constant 0 : i32
        %dma_start3A_415 = arith.constant 0 : i32
        %dma_start3A_416 = tpu.memref_slice %arg5[%dma_start3A_414, %dma_start3A_415] : memref<1000000x64xf32, #tpu.memory_space<hbm>> -> memref<1000000x64xf32, #tpu.memory_space<hbm>>
        tpu.enqueue_indirect_dma source(%dma_start3A_416 : memref<1000000x64xf32, #tpu.memory_space<hbm>>) target(%dma_start3A_410 : memref<96x64xf32, #tpu.memory_space<vmem>>) offsets(%dma_start3A_413 : memref<96xi32, #tpu.memory_space<vmem>>) semaphore(%arg15 : memref<!tpu.dma_semaphore, #tpu.memory_space<semaphore_mem>>)
      } else {
      }
      %dma_wait3A_234 = arith.constant 2 : i32
      %dma_wait3A_235 = arith.constant 0 : i32
      %dma_wait3A_236 = arith.constant 0 : i32
      %dma_wait3A_237 = tpu.memref_slice %arg12[%dma_wait3A_234, %dma_wait3A_235, %dma_wait3A_236] : memref<4x200x64xf32, #tpu.memory_space<vmem>> -> memref<1x200x64xf32, #tpu.memory_space<vmem>>
      %dma_wait3A_238 = tpu.memref_squeeze %dma_wait3A_237 : memref<1x200x64xf32, #tpu.memory_space<vmem>> -> memref<200x64xf32, #tpu.memory_space<vmem>>
      %dma_wait3A_239 = arith.constant 0 : i32
      %dma_wait3A_240 = arith.constant 0 : i32
      %dma_wait3A_241 = tpu.memref_slice %arg5[%dma_wait3A_239, %dma_wait3A_240] : memref<1000000x64xf32, #tpu.memory_space<hbm>> -> memref<200x64xf32, #tpu.memory_space<hbm>>
      %dma_wait3A_242 = arith.constant 0 : i32
      %dma_wait3A_243 = arith.constant 0 : i32
      %dma_wait3A_244 = tpu.memref_slice %arg12[%dma_wait3A_234, %dma_wait3A_242, %dma_wait3A_243] : memref<4x200x64xf32, #tpu.memory_space<vmem>> -> memref<1x200x64xf32, #tpu.memory_space<vmem>>
      %dma_wait3A_245 = tpu.memref_squeeze %dma_wait3A_244 : memref<1x200x64xf32, #tpu.memory_space<vmem>> -> memref<200x64xf32, #tpu.memory_space<vmem>>
      %dma_wait3A_246 = arith.constant 0 : i32
      %dma_wait3A_247 = arith.constant 0 : i32
      %dma_wait3A_248 = tpu.memref_slice %arg5[%dma_wait3A_246, %dma_wait3A_247] : memref<1000000x64xf32, #tpu.memory_space<hbm>> -> memref<200x64xf32, #tpu.memory_space<hbm>>
      tpu.wait_dma2 semaphore(%arg17 : memref<!tpu.dma_semaphore, #tpu.memory_space<semaphore_mem>>) src(%dma_wait3A_248 : memref<200x64xf32, #tpu.memory_space<hbm>>) dst(%dma_wait3A_245 : memref<200x64xf32, #tpu.memory_space<vmem>>)
      %broadcast_in_dim3A_249 = arith.constant 0.000000e+00 : f32
      %broadcast_in_dim3A_250 = vector.broadcast %broadcast_in_dim3A_249 : f32 to vector<16xf32>
      %scan3A_251 = arith.constant 0 : i32
      %scan3A_252 = arith.constant 12 : i32
      %scan3A_253 = arith.addi %scan3A_251, %scan3A_252 : i32
      %scan3A_254 = arith.constant 1 : i32
      %scan3A_255 = scf.for %scan3A_393 = %scan3A_251 to %scan3A_253 step %scan3A_254 iter_args(%scan3A_394 = %broadcast_in_dim3A_250) -> (vector<16xf32>)  : i32 {
        %mul3A_395 = arith.constant 16 : i32
        %mul3A_396 = arith.muli %scan3A_393, %mul3A_395 : i32
        %get3A_397 = arith.index_cast %add3A_226 : i32 to index
        %get3A_398 = arith.index_cast %mul3A_396 : i32 to index
        %get3A_399 = tpu.vector_load %arg10[%get3A_397, %get3A_398] {strides = array<i32>} : memref<128x200xf32, #tpu.memory_space<vmem>>, vector<16xf32>,
        %add3A_400 = arith.addf %scan3A_394, %get3A_399 : vector<16xf32>
        scf.yield %add3A_400 : vector<16xf32>
      }
      %scan3A_256 = arith.constant 12 : i32
      %get3A_257 = arith.index_cast %add3A_226 : i32 to index
      %get3A_258 = arith.constant 184 : index
      %get3A_259 = tpu.vector_load %arg10[%get3A_257, %get3A_258] {strides = array<i32>} : memref<128x200xf32, #tpu.memory_space<vmem>>, vector<16xf32>,
      %ge3A_260 = arith.constant 8 : i32
      %ge3A_261 = vector.broadcast %ge3A_260 : i32 to vector<16xi32>
      %ge3A_262 = arith.cmpi sge, %iota3A, %ge3A_261 : vector<16xi32>
      %jit3A_263 = arith.constant 0.000000e+00 : f32
      %broadcast_in_dim3A_264 = vector.broadcast %jit3A_263 : f32 to vector<16xf32>
      %select_n3A_265 = arith.select %ge3A_262, %get3A_259, %broadcast_in_dim3A_264 : vector<16xi1>, vector<16xf32>
      %add3A_266 = arith.addf %scan3A_255, %select_n3A_265 : vector<16xf32>
      %reduce_sum3A_267 = arith.constant true
      %reduce_sum3A_268 = vector.broadcast %reduce_sum3A_267 : i1 to vector<16xi1>
      %reduce_sum3A_269 = tpu.scan <sum>, %add3A_266 masked %reduce_sum3A_268 : vector<16xf32>, vector<16xi1> -> vector<16xf32>
      %reduce_sum3A_270 = vector.extract %reduce_sum3A_269[15] : f32 from vector<16xf32>
      %broadcast_in_dim3A_271 = arith.constant 9.99999971E-10 : f32
      %broadcast_in_dim3A_272 = vector.broadcast %broadcast_in_dim3A_271 : f32 to vector<16xf32>
      %add3A_273 = vector.broadcast %reduce_sum3A_270 : f32 to vector<16xf32>
      %add3A_274 = arith.addf %add3A_273, %broadcast_in_dim3A_272 : vector<16xf32>
      %broadcast_in_dim3A_275 = arith.constant 0.000000e+00 : f32
      %broadcast_in_dim3A_276 = vector.broadcast %broadcast_in_dim3A_275 : f32 to vector<16xf32>
      %broadcast_in_dim3A_277 = arith.constant 0.000000e+00 : f32
      %broadcast_in_dim3A_278 = vector.broadcast %broadcast_in_dim3A_277 : f32 to vector<16xf32>
      %broadcast_in_dim3A_279 = arith.constant 0.000000e+00 : f32
      %broadcast_in_dim3A_280 = vector.broadcast %broadcast_in_dim3A_279 : f32 to vector<16xf32>
      %broadcast_in_dim3A_281 = arith.constant 0.000000e+00 : f32
      %broadcast_in_dim3A_282 = vector.broadcast %broadcast_in_dim3A_281 : f32 to vector<16xf32>
      %scan3A_283 = arith.constant 0 : i32
      %scan3A_284 = arith.constant 200 : i32
      %scan3A_285 = arith.addi %scan3A_283, %scan3A_284 : i32
      %scan3A_286 = arith.constant 4 : i32
      %scan3A_287:4 = scf.for %scan3A_393 = %scan3A_283 to %scan3A_285 step %scan3A_286 iter_args(%scan3A_394 = %broadcast_in_dim3A_276, %scan3A_395 = %broadcast_in_dim3A_278, %scan3A_396 = %broadcast_in_dim3A_280, %scan3A_397 = %broadcast_in_dim3A_282) -> (vector<16xf32>, vector<16xf32>, vector<16xf32>, vector<16xf32>)  : i32 {
        %get3A_398 = arith.constant 2 : i32
        %get3A_399 = arith.index_cast %get3A_398 : i32 to index
        %get3A_400 = arith.index_cast %scan3A_393 : i32 to index
        %get3A_401 = arith.constant 0 : index
        %get3A_402 = tpu.vector_load %arg12[%get3A_399, %get3A_400, %get3A_401] {strides = array<i32>} : memref<4x200x64xf32, #tpu.memory_space<vmem>>, vector<16xf32>,
        %add3A_403 = arith.addf %scan3A_394, %get3A_402 : vector<16xf32>
        %get3A_404 = arith.constant 2 : i32
        %get3A_405 = arith.index_cast %get3A_404 : i32 to index
        %get3A_406 = arith.index_cast %scan3A_393 : i32 to index
        %get3A_407 = arith.constant 16 : index
        %get3A_408 = tpu.vector_load %arg12[%get3A_405, %get3A_406, %get3A_407] {strides = array<i32>} : memref<4x200x64xf32, #tpu.memory_space<vmem>>, vector<16xf32>,
        %add3A_409 = arith.addf %scan3A_395, %get3A_408 : vector<16xf32>
        %get3A_410 = arith.constant 2 : i32
        %get3A_411 = arith.index_cast %get3A_410 : i32 to index
        %get3A_412 = arith.index_cast %scan3A_393 : i32 to index
        %get3A_413 = arith.constant 32 : index
        %get3A_414 = tpu.vector_load %arg12[%get3A_411, %get3A_412, %get3A_413] {strides = array<i32>} : memref<4x200x64xf32, #tpu.memory_space<vmem>>, vector<16xf32>,
        %add3A_415 = arith.addf %scan3A_396, %get3A_414 : vector<16xf32>
        %get3A_416 = arith.constant 2 : i32
        %get3A_417 = arith.index_cast %get3A_416 : i32 to index
        %get3A_418 = arith.index_cast %scan3A_393 : i32 to index
        %get3A_419 = arith.constant 48 : index
        %get3A_420 = tpu.vector_load %arg12[%get3A_417, %get3A_418, %get3A_419] {strides = array<i32>} : memref<4x200x64xf32, #tpu.memory_space<vmem>>, vector<16xf32>,
        %add3A_421 = arith.addf %scan3A_397, %get3A_420 : vector<16xf32>
        %scan3A_422 = arith.constant 1 : i32
        %scan3A_423 = arith.addi %scan3A_393, %scan3A_422 : i32
        %get3A_424 = arith.constant 2 : i32
        %get3A_425 = arith.index_cast %get3A_424 : i32 to index
        %get3A_426 = arith.index_cast %scan3A_423 : i32 to index
        %get3A_427 = arith.constant 0 : index
        %get3A_428 = tpu.vector_load %arg12[%get3A_425, %get3A_426, %get3A_427] {strides = array<i32>} : memref<4x200x64xf32, #tpu.memory_space<vmem>>, vector<16xf32>,
        %add3A_429 = arith.addf %add3A_403, %get3A_428 : vector<16xf32>
        %get3A_430 = arith.constant 2 : i32
        %get3A_431 = arith.index_cast %get3A_430 : i32 to index
        %get3A_432 = arith.index_cast %scan3A_423 : i32 to index
        %get3A_433 = arith.constant 16 : index
        %get3A_434 = tpu.vector_load %arg12[%get3A_431, %get3A_432, %get3A_433] {strides = array<i32>} : memref<4x200x64xf32, #tpu.memory_space<vmem>>, vector<16xf32>,
        %add3A_435 = arith.addf %add3A_409, %get3A_434 : vector<16xf32>
        %get3A_436 = arith.constant 2 : i32
        %get3A_437 = arith.index_cast %get3A_436 : i32 to index
        %get3A_438 = arith.index_cast %scan3A_423 : i32 to index
        %get3A_439 = arith.constant 32 : index
        %get3A_440 = tpu.vector_load %arg12[%get3A_437, %get3A_438, %get3A_439] {strides = array<i32>} : memref<4x200x64xf32, #tpu.memory_space<vmem>>, vector<16xf32>,
        %add3A_441 = arith.addf %add3A_415, %get3A_440 : vector<16xf32>
        %get3A_442 = arith.constant 2 : i32
        %get3A_443 = arith.index_cast %get3A_442 : i32 to index
        %get3A_444 = arith.index_cast %scan3A_423 : i32 to index
        %get3A_445 = arith.constant 48 : index
        %get3A_446 = tpu.vector_load %arg12[%get3A_443, %get3A_444, %get3A_445] {strides = array<i32>} : memref<4x200x64xf32, #tpu.memory_space<vmem>>, vector<16xf32>,
        %add3A_447 = arith.addf %add3A_421, %get3A_446 : vector<16xf32>
        %scan3A_448 = arith.constant 2 : i32
        %scan3A_449 = arith.addi %scan3A_393, %scan3A_448 : i32
        %get3A_450 = arith.constant 2 : i32
        %get3A_451 = arith.index_cast %get3A_450 : i32 to index
        %get3A_452 = arith.index_cast %scan3A_449 : i32 to index
        %get3A_453 = arith.constant 0 : index
        %get3A_454 = tpu.vector_load %arg12[%get3A_451, %get3A_452, %get3A_453] {strides = array<i32>} : memref<4x200x64xf32, #tpu.memory_space<vmem>>, vector<16xf32>,
        %add3A_455 = arith.addf %add3A_429, %get3A_454 : vector<16xf32>
        %get3A_456 = arith.constant 2 : i32
        %get3A_457 = arith.index_cast %get3A_456 : i32 to index
        %get3A_458 = arith.index_cast %scan3A_449 : i32 to index
        %get3A_459 = arith.constant 16 : index
        %get3A_460 = tpu.vector_load %arg12[%get3A_457, %get3A_458, %get3A_459] {strides = array<i32>} : memref<4x200x64xf32, #tpu.memory_space<vmem>>, vector<16xf32>,
        %add3A_461 = arith.addf %add3A_435, %get3A_460 : vector<16xf32>
        %get3A_462 = arith.constant 2 : i32
        %get3A_463 = arith.index_cast %get3A_462 : i32 to index
        %get3A_464 = arith.index_cast %scan3A_449 : i32 to index
        %get3A_465 = arith.constant 32 : index
        %get3A_466 = tpu.vector_load %arg12[%get3A_463, %get3A_464, %get3A_465] {strides = array<i32>} : memref<4x200x64xf32, #tpu.memory_space<vmem>>, vector<16xf32>,
        %add3A_467 = arith.addf %add3A_441, %get3A_466 : vector<16xf32>
        %get3A_468 = arith.constant 2 : i32
        %get3A_469 = arith.index_cast %get3A_468 : i32 to index
        %get3A_470 = arith.index_cast %scan3A_449 : i32 to index
        %get3A_471 = arith.constant 48 : index
        %get3A_472 = tpu.vector_load %arg12[%get3A_469, %get3A_470, %get3A_471] {strides = array<i32>} : memref<4x200x64xf32, #tpu.memory_space<vmem>>, vector<16xf32>,
        %add3A_473 = arith.addf %add3A_447, %get3A_472 : vector<16xf32>
        %scan3A_474 = arith.constant 3 : i32
        %scan3A_475 = arith.addi %scan3A_393, %scan3A_474 : i32
        %get3A_476 = arith.constant 2 : i32
        %get3A_477 = arith.index_cast %get3A_476 : i32 to index
        %get3A_478 = arith.index_cast %scan3A_475 : i32 to index
        %get3A_479 = arith.constant 0 : index
        %get3A_480 = tpu.vector_load %arg12[%get3A_477, %get3A_478, %get3A_479] {strides = array<i32>} : memref<4x200x64xf32, #tpu.memory_space<vmem>>, vector<16xf32>,
        %add3A_481 = arith.addf %add3A_455, %get3A_480 : vector<16xf32>
        %get3A_482 = arith.constant 2 : i32
        %get3A_483 = arith.index_cast %get3A_482 : i32 to index
        %get3A_484 = arith.index_cast %scan3A_475 : i32 to index
        %get3A_485 = arith.constant 16 : index
        %get3A_486 = tpu.vector_load %arg12[%get3A_483, %get3A_484, %get3A_485] {strides = array<i32>} : memref<4x200x64xf32, #tpu.memory_space<vmem>>, vector<16xf32>,
        %add3A_487 = arith.addf %add3A_461, %get3A_486 : vector<16xf32>
        %get3A_488 = arith.constant 2 : i32
        %get3A_489 = arith.index_cast %get3A_488 : i32 to index
        %get3A_490 = arith.index_cast %scan3A_475 : i32 to index
        %get3A_491 = arith.constant 32 : index
        %get3A_492 = tpu.vector_load %arg12[%get3A_489, %get3A_490, %get3A_491] {strides = array<i32>} : memref<4x200x64xf32, #tpu.memory_space<vmem>>, vector<16xf32>,
        %add3A_493 = arith.addf %add3A_467, %get3A_492 : vector<16xf32>
        %get3A_494 = arith.constant 2 : i32
        %get3A_495 = arith.index_cast %get3A_494 : i32 to index
        %get3A_496 = arith.index_cast %scan3A_475 : i32 to index
        %get3A_497 = arith.constant 48 : index
        %get3A_498 = tpu.vector_load %arg12[%get3A_495, %get3A_496, %get3A_497] {strides = array<i32>} : memref<4x200x64xf32, #tpu.memory_space<vmem>>, vector<16xf32>,
        %add3A_499 = arith.addf %add3A_473, %get3A_498 : vector<16xf32>
        scf.yield %add3A_481, %add3A_487, %add3A_493, %add3A_499 : vector<16xf32>, vector<16xf32>, vector<16xf32>, vector<16xf32>
      }
      %scan3A_288 = arith.constant 200 : i32
      %broadcast_in_dim3A_289 = arith.constant 1.000000e+00 : f32
      %broadcast_in_dim3A_290 = vector.broadcast %broadcast_in_dim3A_289 : f32 to vector<16xf32>
      %div3A_291 = arith.divf %broadcast_in_dim3A_290, %add3A_274 : vector<16xf32>
      %mul3A_292 = arith.mulf %scan3A_287#0, %div3A_291 : vector<16xf32>
      %swap3A_293 = arith.index_cast %add3A_226 : i32 to index
      %swap3A_294 = arith.constant 0 : index
      %swap3A_295 = tpu.vector_load %arg13[%swap3A_293, %swap3A_294] {strides = array<i32>} : memref<128x64xf32, #tpu.memory_space<vmem>>, vector<16xf32>,
      tpu.vector_store %arg13[%swap3A_293, %swap3A_294], %mul3A_292 {strides = array<i32>} : memref<128x64xf32, #tpu.memory_space<vmem>>, vector<16xf32>,
      %mul3A_296 = arith.mulf %scan3A_287#1, %div3A_291 : vector<16xf32>
      %swap3A_297 = arith.index_cast %add3A_226 : i32 to index
      %swap3A_298 = arith.constant 16 : index
      %swap3A_299 = tpu.vector_load %arg13[%swap3A_297, %swap3A_298] {strides = array<i32>} : memref<128x64xf32, #tpu.memory_space<vmem>>, vector<16xf32>,
      tpu.vector_store %arg13[%swap3A_297, %swap3A_298], %mul3A_296 {strides = array<i32>} : memref<128x64xf32, #tpu.memory_space<vmem>>, vector<16xf32>,
      %mul3A_300 = arith.mulf %scan3A_287#2, %div3A_291 : vector<16xf32>
      %swap3A_301 = arith.index_cast %add3A_226 : i32 to index
      %swap3A_302 = arith.constant 32 : index
      %swap3A_303 = tpu.vector_load %arg13[%swap3A_301, %swap3A_302] {strides = array<i32>} : memref<128x64xf32, #tpu.memory_space<vmem>>, vector<16xf32>,
      tpu.vector_store %arg13[%swap3A_301, %swap3A_302], %mul3A_300 {strides = array<i32>} : memref<128x64xf32, #tpu.memory_space<vmem>>, vector<16xf32>,
      %mul3A_304 = arith.mulf %scan3A_287#3, %div3A_291 : vector<16xf32>
      %swap3A_305 = arith.index_cast %add3A_226 : i32 to index
      %swap3A_306 = arith.constant 48 : index
      %swap3A_307 = tpu.vector_load %arg13[%swap3A_305, %swap3A_306] {strides = array<i32>} : memref<128x64xf32, #tpu.memory_space<vmem>>, vector<16xf32>,
      tpu.vector_store %arg13[%swap3A_305, %swap3A_306], %mul3A_304 {strides = array<i32>} : memref<128x64xf32, #tpu.memory_space<vmem>>, vector<16xf32>,
      %mul3A_308 = arith.constant 4 : i32
      %mul3A_309 = arith.muli %mul3A_308, %scan3A_63 : i32
      %add3A_310 = arith.constant 3 : i32
      %add3A_311 = arith.addi %mul3A_309, %add3A_310 : i32
      %add3A_312 = arith.constant 2 : i32
      %add3A_313 = arith.addi %add3A_311, %add3A_312 : i32
      %lt3A_314 = arith.constant 128 : i32
      %lt3A_315 = arith.cmpi slt, %add3A_313, %lt3A_314 : i32
      %convert_element_type3A_316 = arith.extui %lt3A_315 : i1 to i32
      %cond3A_317 = arith.constant 0 : i32
      %cond3A_318 = arith.cmpi ne, %convert_element_type3A_316, %cond3A_317 : i32
      scf.if %cond3A_318 {
        %add3A_393 = arith.constant 2 : i32
        %add3A_394 = arith.addi %add3A_311, %add3A_393 : i32
        %dma_start3A_395 = arith.constant 1 : i32
        %dma_start3A_396 = arith.constant 0 : i32
        %dma_start3A_397 = arith.constant 0 : i32
        %dma_start3A_398 = tpu.memref_slice %arg12[%dma_start3A_395, %dma_start3A_396, %dma_start3A_397] : memref<4x200x64xf32, #tpu.memory_space<vmem>> -> memref<1x104x64xf32, #tpu.memory_space<vmem>>
        %dma_start3A_399 = tpu.memref_squeeze %dma_start3A_398 : memref<1x104x64xf32, #tpu.memory_space<vmem>> -> memref<104x64xf32, #tpu.memory_space<vmem>>
        %dma_start3A_400 = arith.constant 0 : i32
        %dma_start3A_401 = tpu.memref_slice %arg9[%add3A_394, %dma_start3A_400] : memref<128x200xi32, #tpu.memory_space<vmem>> -> memref<1x104xi32, #tpu.memory_space<vmem>>
        %dma_start3A_402 = tpu.memref_squeeze %dma_start3A_401 : memref<1x104xi32, #tpu.memory_space<vmem>> -> memref<104xi32, #tpu.memory_space<vmem>>
        %dma_start3A_403 = arith.constant 0 : i32
        %dma_start3A_404 = arith.constant 0 : i32
        %dma_start3A_405 = tpu.memref_slice %arg5[%dma_start3A_403, %dma_start3A_404] : memref<1000000x64xf32, #tpu.memory_space<hbm>> -> memref<1000000x64xf32, #tpu.memory_space<hbm>>
        tpu.enqueue_indirect_dma source(%dma_start3A_405 : memref<1000000x64xf32, #tpu.memory_space<hbm>>) target(%dma_start3A_399 : memref<104x64xf32, #tpu.memory_space<vmem>>) offsets(%dma_start3A_402 : memref<104xi32, #tpu.memory_space<vmem>>) semaphore(%arg16 : memref<!tpu.dma_semaphore, #tpu.memory_space<semaphore_mem>>)
        %dma_start3A_406 = arith.constant 1 : i32
        %dma_start3A_407 = arith.constant 104 : i32
        %dma_start3A_408 = arith.constant 0 : i32
        %dma_start3A_409 = tpu.memref_slice %arg12[%dma_start3A_406, %dma_start3A_407, %dma_start3A_408] : memref<4x200x64xf32, #tpu.memory_space<vmem>> -> memref<1x96x64xf32, #tpu.memory_space<vmem>>
        %dma_start3A_410 = tpu.memref_squeeze %dma_start3A_409 : memref<1x96x64xf32, #tpu.memory_space<vmem>> -> memref<96x64xf32, #tpu.memory_space<vmem>>
        %dma_start3A_411 = arith.constant 104 : i32
        %dma_start3A_412 = tpu.memref_slice %arg9[%add3A_394, %dma_start3A_411] : memref<128x200xi32, #tpu.memory_space<vmem>> -> memref<1x96xi32, #tpu.memory_space<vmem>>
        %dma_start3A_413 = tpu.memref_squeeze %dma_start3A_412 : memref<1x96xi32, #tpu.memory_space<vmem>> -> memref<96xi32, #tpu.memory_space<vmem>>
        %dma_start3A_414 = arith.constant 0 : i32
        %dma_start3A_415 = arith.constant 0 : i32
        %dma_start3A_416 = tpu.memref_slice %arg5[%dma_start3A_414, %dma_start3A_415] : memref<1000000x64xf32, #tpu.memory_space<hbm>> -> memref<1000000x64xf32, #tpu.memory_space<hbm>>
        tpu.enqueue_indirect_dma source(%dma_start3A_416 : memref<1000000x64xf32, #tpu.memory_space<hbm>>) target(%dma_start3A_410 : memref<96x64xf32, #tpu.memory_space<vmem>>) offsets(%dma_start3A_413 : memref<96xi32, #tpu.memory_space<vmem>>) semaphore(%arg16 : memref<!tpu.dma_semaphore, #tpu.memory_space<semaphore_mem>>)
      } else {
      }
      %dma_wait3A_319 = arith.constant 3 : i32
      %dma_wait3A_320 = arith.constant 0 : i32
      %dma_wait3A_321 = arith.constant 0 : i32
      %dma_wait3A_322 = tpu.memref_slice %arg12[%dma_wait3A_319, %dma_wait3A_320, %dma_wait3A_321] : memref<4x200x64xf32, #tpu.memory_space<vmem>> -> memref<1x200x64xf32, #tpu.memory_space<vmem>>
      %dma_wait3A_323 = tpu.memref_squeeze %dma_wait3A_322 : memref<1x200x64xf32, #tpu.memory_space<vmem>> -> memref<200x64xf32, #tpu.memory_space<vmem>>
      %dma_wait3A_324 = arith.constant 0 : i32
      %dma_wait3A_325 = arith.constant 0 : i32
      %dma_wait3A_326 = tpu.memref_slice %arg5[%dma_wait3A_324, %dma_wait3A_325] : memref<1000000x64xf32, #tpu.memory_space<hbm>> -> memref<200x64xf32, #tpu.memory_space<hbm>>
      %dma_wait3A_327 = arith.constant 0 : i32
      %dma_wait3A_328 = arith.constant 0 : i32
      %dma_wait3A_329 = tpu.memref_slice %arg12[%dma_wait3A_319, %dma_wait3A_327, %dma_wait3A_328] : memref<4x200x64xf32, #tpu.memory_space<vmem>> -> memref<1x200x64xf32, #tpu.memory_space<vmem>>
      %dma_wait3A_330 = tpu.memref_squeeze %dma_wait3A_329 : memref<1x200x64xf32, #tpu.memory_space<vmem>> -> memref<200x64xf32, #tpu.memory_space<vmem>>
      %dma_wait3A_331 = arith.constant 0 : i32
      %dma_wait3A_332 = arith.constant 0 : i32
      %dma_wait3A_333 = tpu.memref_slice %arg5[%dma_wait3A_331, %dma_wait3A_332] : memref<1000000x64xf32, #tpu.memory_space<hbm>> -> memref<200x64xf32, #tpu.memory_space<hbm>>
      tpu.wait_dma2 semaphore(%arg18 : memref<!tpu.dma_semaphore, #tpu.memory_space<semaphore_mem>>) src(%dma_wait3A_333 : memref<200x64xf32, #tpu.memory_space<hbm>>) dst(%dma_wait3A_330 : memref<200x64xf32, #tpu.memory_space<vmem>>)
      %broadcast_in_dim3A_334 = arith.constant 0.000000e+00 : f32
      %broadcast_in_dim3A_335 = vector.broadcast %broadcast_in_dim3A_334 : f32 to vector<16xf32>
      %scan3A_336 = arith.constant 0 : i32
      %scan3A_337 = arith.constant 12 : i32
      %scan3A_338 = arith.addi %scan3A_336, %scan3A_337 : i32
      %scan3A_339 = arith.constant 1 : i32
      %scan3A_340 = scf.for %scan3A_393 = %scan3A_336 to %scan3A_338 step %scan3A_339 iter_args(%scan3A_394 = %broadcast_in_dim3A_335) -> (vector<16xf32>)  : i32 {
        %mul3A_395 = arith.constant 16 : i32
        %mul3A_396 = arith.muli %scan3A_393, %mul3A_395 : i32
        %get3A_397 = arith.index_cast %add3A_311 : i32 to index
        %get3A_398 = arith.index_cast %mul3A_396 : i32 to index
        %get3A_399 = tpu.vector_load %arg10[%get3A_397, %get3A_398] {strides = array<i32>} : memref<128x200xf32, #tpu.memory_space<vmem>>, vector<16xf32>,
        %add3A_400 = arith.addf %scan3A_394, %get3A_399 : vector<16xf32>
        scf.yield %add3A_400 : vector<16xf32>
      }
      %scan3A_341 = arith.constant 12 : i32
      %get3A_342 = arith.index_cast %add3A_311 : i32 to index
      %get3A_343 = arith.constant 184 : index
      %get3A_344 = tpu.vector_load %arg10[%get3A_342, %get3A_343] {strides = array<i32>} : memref<128x200xf32, #tpu.memory_space<vmem>>, vector<16xf32>,
      %ge3A_345 = arith.constant 8 : i32
      %ge3A_346 = vector.broadcast %ge3A_345 : i32 to vector<16xi32>
      %ge3A_347 = arith.cmpi sge, %iota3A, %ge3A_346 : vector<16xi32>
      %jit3A_348 = arith.constant 0.000000e+00 : f32
      %broadcast_in_dim3A_349 = vector.broadcast %jit3A_348 : f32 to vector<16xf32>
      %select_n3A_350 = arith.select %ge3A_347, %get3A_344, %broadcast_in_dim3A_349 : vector<16xi1>, vector<16xf32>
      %add3A_351 = arith.addf %scan3A_340, %select_n3A_350 : vector<16xf32>
      %reduce_sum3A_352 = arith.constant true
      %reduce_sum3A_353 = vector.broadcast %reduce_sum3A_352 : i1 to vector<16xi1>
      %reduce_sum3A_354 = tpu.scan <sum>, %add3A_351 masked %reduce_sum3A_353 : vector<16xf32>, vector<16xi1> -> vector<16xf32>
      %reduce_sum3A_355 = vector.extract %reduce_sum3A_354[15] : f32 from vector<16xf32>
      %broadcast_in_dim3A_356 = arith.constant 9.99999971E-10 : f32
      %broadcast_in_dim3A_357 = vector.broadcast %broadcast_in_dim3A_356 : f32 to vector<16xf32>
      %add3A_358 = vector.broadcast %reduce_sum3A_355 : f32 to vector<16xf32>
      %add3A_359 = arith.addf %add3A_358, %broadcast_in_dim3A_357 : vector<16xf32>
      %broadcast_in_dim3A_360 = arith.constant 0.000000e+00 : f32
      %broadcast_in_dim3A_361 = vector.broadcast %broadcast_in_dim3A_360 : f32 to vector<16xf32>
      %broadcast_in_dim3A_362 = arith.constant 0.000000e+00 : f32
      %broadcast_in_dim3A_363 = vector.broadcast %broadcast_in_dim3A_362 : f32 to vector<16xf32>
      %broadcast_in_dim3A_364 = arith.constant 0.000000e+00 : f32
      %broadcast_in_dim3A_365 = vector.broadcast %broadcast_in_dim3A_364 : f32 to vector<16xf32>
      %broadcast_in_dim3A_366 = arith.constant 0.000000e+00 : f32
      %broadcast_in_dim3A_367 = vector.broadcast %broadcast_in_dim3A_366 : f32 to vector<16xf32>
      %scan3A_368 = arith.constant 0 : i32
      %scan3A_369 = arith.constant 200 : i32
      %scan3A_370 = arith.addi %scan3A_368, %scan3A_369 : i32
      %scan3A_371 = arith.constant 4 : i32
      %scan3A_372:4 = scf.for %scan3A_393 = %scan3A_368 to %scan3A_370 step %scan3A_371 iter_args(%scan3A_394 = %broadcast_in_dim3A_361, %scan3A_395 = %broadcast_in_dim3A_363, %scan3A_396 = %broadcast_in_dim3A_365, %scan3A_397 = %broadcast_in_dim3A_367) -> (vector<16xf32>, vector<16xf32>, vector<16xf32>, vector<16xf32>)  : i32 {
        %get3A_398 = arith.constant 3 : i32
        %get3A_399 = arith.index_cast %get3A_398 : i32 to index
        %get3A_400 = arith.index_cast %scan3A_393 : i32 to index
        %get3A_401 = arith.constant 0 : index
        %get3A_402 = tpu.vector_load %arg12[%get3A_399, %get3A_400, %get3A_401] {strides = array<i32>} : memref<4x200x64xf32, #tpu.memory_space<vmem>>, vector<16xf32>,
        %add3A_403 = arith.addf %scan3A_394, %get3A_402 : vector<16xf32>
        %get3A_404 = arith.constant 3 : i32
        %get3A_405 = arith.index_cast %get3A_404 : i32 to index
        %get3A_406 = arith.index_cast %scan3A_393 : i32 to index
        %get3A_407 = arith.constant 16 : index
        %get3A_408 = tpu.vector_load %arg12[%get3A_405, %get3A_406, %get3A_407] {strides = array<i32>} : memref<4x200x64xf32, #tpu.memory_space<vmem>>, vector<16xf32>,
        %add3A_409 = arith.addf %scan3A_395, %get3A_408 : vector<16xf32>
        %get3A_410 = arith.constant 3 : i32
        %get3A_411 = arith.index_cast %get3A_410 : i32 to index
        %get3A_412 = arith.index_cast %scan3A_393 : i32 to index
        %get3A_413 = arith.constant 32 : index
        %get3A_414 = tpu.vector_load %arg12[%get3A_411, %get3A_412, %get3A_413] {strides = array<i32>} : memref<4x200x64xf32, #tpu.memory_space<vmem>>, vector<16xf32>,
        %add3A_415 = arith.addf %scan3A_396, %get3A_414 : vector<16xf32>
        %get3A_416 = arith.constant 3 : i32
        %get3A_417 = arith.index_cast %get3A_416 : i32 to index
        %get3A_418 = arith.index_cast %scan3A_393 : i32 to index
        %get3A_419 = arith.constant 48 : index
        %get3A_420 = tpu.vector_load %arg12[%get3A_417, %get3A_418, %get3A_419] {strides = array<i32>} : memref<4x200x64xf32, #tpu.memory_space<vmem>>, vector<16xf32>,
        %add3A_421 = arith.addf %scan3A_397, %get3A_420 : vector<16xf32>
        %scan3A_422 = arith.constant 1 : i32
        %scan3A_423 = arith.addi %scan3A_393, %scan3A_422 : i32
        %get3A_424 = arith.constant 3 : i32
        %get3A_425 = arith.index_cast %get3A_424 : i32 to index
        %get3A_426 = arith.index_cast %scan3A_423 : i32 to index
        %get3A_427 = arith.constant 0 : index
        %get3A_428 = tpu.vector_load %arg12[%get3A_425, %get3A_426, %get3A_427] {strides = array<i32>} : memref<4x200x64xf32, #tpu.memory_space<vmem>>, vector<16xf32>,
        %add3A_429 = arith.addf %add3A_403, %get3A_428 : vector<16xf32>
        %get3A_430 = arith.constant 3 : i32
        %get3A_431 = arith.index_cast %get3A_430 : i32 to index
        %get3A_432 = arith.index_cast %scan3A_423 : i32 to index
        %get3A_433 = arith.constant 16 : index
        %get3A_434 = tpu.vector_load %arg12[%get3A_431, %get3A_432, %get3A_433] {strides = array<i32>} : memref<4x200x64xf32, #tpu.memory_space<vmem>>, vector<16xf32>,
        %add3A_435 = arith.addf %add3A_409, %get3A_434 : vector<16xf32>
        %get3A_436 = arith.constant 3 : i32
        %get3A_437 = arith.index_cast %get3A_436 : i32 to index
        %get3A_438 = arith.index_cast %scan3A_423 : i32 to index
        %get3A_439 = arith.constant 32 : index
        %get3A_440 = tpu.vector_load %arg12[%get3A_437, %get3A_438, %get3A_439] {strides = array<i32>} : memref<4x200x64xf32, #tpu.memory_space<vmem>>, vector<16xf32>,
        %add3A_441 = arith.addf %add3A_415, %get3A_440 : vector<16xf32>
        %get3A_442 = arith.constant 3 : i32
        %get3A_443 = arith.index_cast %get3A_442 : i32 to index
        %get3A_444 = arith.index_cast %scan3A_423 : i32 to index
        %get3A_445 = arith.constant 48 : index
        %get3A_446 = tpu.vector_load %arg12[%get3A_443, %get3A_444, %get3A_445] {strides = array<i32>} : memref<4x200x64xf32, #tpu.memory_space<vmem>>, vector<16xf32>,
        %add3A_447 = arith.addf %add3A_421, %get3A_446 : vector<16xf32>
        %scan3A_448 = arith.constant 2 : i32
        %scan3A_449 = arith.addi %scan3A_393, %scan3A_448 : i32
        %get3A_450 = arith.constant 3 : i32
        %get3A_451 = arith.index_cast %get3A_450 : i32 to index
        %get3A_452 = arith.index_cast %scan3A_449 : i32 to index
        %get3A_453 = arith.constant 0 : index
        %get3A_454 = tpu.vector_load %arg12[%get3A_451, %get3A_452, %get3A_453] {strides = array<i32>} : memref<4x200x64xf32, #tpu.memory_space<vmem>>, vector<16xf32>,
        %add3A_455 = arith.addf %add3A_429, %get3A_454 : vector<16xf32>
        %get3A_456 = arith.constant 3 : i32
        %get3A_457 = arith.index_cast %get3A_456 : i32 to index
        %get3A_458 = arith.index_cast %scan3A_449 : i32 to index
        %get3A_459 = arith.constant 16 : index
        %get3A_460 = tpu.vector_load %arg12[%get3A_457, %get3A_458, %get3A_459] {strides = array<i32>} : memref<4x200x64xf32, #tpu.memory_space<vmem>>, vector<16xf32>,
        %add3A_461 = arith.addf %add3A_435, %get3A_460 : vector<16xf32>
        %get3A_462 = arith.constant 3 : i32
        %get3A_463 = arith.index_cast %get3A_462 : i32 to index
        %get3A_464 = arith.index_cast %scan3A_449 : i32 to index
        %get3A_465 = arith.constant 32 : index
        %get3A_466 = tpu.vector_load %arg12[%get3A_463, %get3A_464, %get3A_465] {strides = array<i32>} : memref<4x200x64xf32, #tpu.memory_space<vmem>>, vector<16xf32>,
        %add3A_467 = arith.addf %add3A_441, %get3A_466 : vector<16xf32>
        %get3A_468 = arith.constant 3 : i32
        %get3A_469 = arith.index_cast %get3A_468 : i32 to index
        %get3A_470 = arith.index_cast %scan3A_449 : i32 to index
        %get3A_471 = arith.constant 48 : index
        %get3A_472 = tpu.vector_load %arg12[%get3A_469, %get3A_470, %get3A_471] {strides = array<i32>} : memref<4x200x64xf32, #tpu.memory_space<vmem>>, vector<16xf32>,
        %add3A_473 = arith.addf %add3A_447, %get3A_472 : vector<16xf32>
        %scan3A_474 = arith.constant 3 : i32
        %scan3A_475 = arith.addi %scan3A_393, %scan3A_474 : i32
        %get3A_476 = arith.constant 3 : i32
        %get3A_477 = arith.index_cast %get3A_476 : i32 to index
        %get3A_478 = arith.index_cast %scan3A_475 : i32 to index
        %get3A_479 = arith.constant 0 : index
        %get3A_480 = tpu.vector_load %arg12[%get3A_477, %get3A_478, %get3A_479] {strides = array<i32>} : memref<4x200x64xf32, #tpu.memory_space<vmem>>, vector<16xf32>,
        %add3A_481 = arith.addf %add3A_455, %get3A_480 : vector<16xf32>
        %get3A_482 = arith.constant 3 : i32
        %get3A_483 = arith.index_cast %get3A_482 : i32 to index
        %get3A_484 = arith.index_cast %scan3A_475 : i32 to index
        %get3A_485 = arith.constant 16 : index
        %get3A_486 = tpu.vector_load %arg12[%get3A_483, %get3A_484, %get3A_485] {strides = array<i32>} : memref<4x200x64xf32, #tpu.memory_space<vmem>>, vector<16xf32>,
        %add3A_487 = arith.addf %add3A_461, %get3A_486 : vector<16xf32>
        %get3A_488 = arith.constant 3 : i32
        %get3A_489 = arith.index_cast %get3A_488 : i32 to index
        %get3A_490 = arith.index_cast %scan3A_475 : i32 to index
        %get3A_491 = arith.constant 32 : index
        %get3A_492 = tpu.vector_load %arg12[%get3A_489, %get3A_490, %get3A_491] {strides = array<i32>} : memref<4x200x64xf32, #tpu.memory_space<vmem>>, vector<16xf32>,
        %add3A_493 = arith.addf %add3A_467, %get3A_492 : vector<16xf32>
        %get3A_494 = arith.constant 3 : i32
        %get3A_495 = arith.index_cast %get3A_494 : i32 to index
        %get3A_496 = arith.index_cast %scan3A_475 : i32 to index
        %get3A_497 = arith.constant 48 : index
        %get3A_498 = tpu.vector_load %arg12[%get3A_495, %get3A_496, %get3A_497] {strides = array<i32>} : memref<4x200x64xf32, #tpu.memory_space<vmem>>, vector<16xf32>,
        %add3A_499 = arith.addf %add3A_473, %get3A_498 : vector<16xf32>
        scf.yield %add3A_481, %add3A_487, %add3A_493, %add3A_499 : vector<16xf32>, vector<16xf32>, vector<16xf32>, vector<16xf32>
      }
      %scan3A_373 = arith.constant 200 : i32
      %broadcast_in_dim3A_374 = arith.constant 1.000000e+00 : f32
      %broadcast_in_dim3A_375 = vector.broadcast %broadcast_in_dim3A_374 : f32 to vector<16xf32>
      %div3A_376 = arith.divf %broadcast_in_dim3A_375, %add3A_359 : vector<16xf32>
      %mul3A_377 = arith.mulf %scan3A_372#0, %div3A_376 : vector<16xf32>
      %swap3A_378 = arith.index_cast %add3A_311 : i32 to index
      %swap3A_379 = arith.constant 0 : index
      %swap3A_380 = tpu.vector_load %arg13[%swap3A_378, %swap3A_379] {strides = array<i32>} : memref<128x64xf32, #tpu.memory_space<vmem>>, vector<16xf32>,
      tpu.vector_store %arg13[%swap3A_378, %swap3A_379], %mul3A_377 {strides = array<i32>} : memref<128x64xf32, #tpu.memory_space<vmem>>, vector<16xf32>,
      %mul3A_381 = arith.mulf %scan3A_372#1, %div3A_376 : vector<16xf32>
      %swap3A_382 = arith.index_cast %add3A_311 : i32 to index
      %swap3A_383 = arith.constant 16 : index
      %swap3A_384 = tpu.vector_load %arg13[%swap3A_382, %swap3A_383] {strides = array<i32>} : memref<128x64xf32, #tpu.memory_space<vmem>>, vector<16xf32>,
      tpu.vector_store %arg13[%swap3A_382, %swap3A_383], %mul3A_381 {strides = array<i32>} : memref<128x64xf32, #tpu.memory_space<vmem>>, vector<16xf32>,
      %mul3A_385 = arith.mulf %scan3A_372#2, %div3A_376 : vector<16xf32>
      %swap3A_386 = arith.index_cast %add3A_311 : i32 to index
      %swap3A_387 = arith.constant 32 : index
      %swap3A_388 = tpu.vector_load %arg13[%swap3A_386, %swap3A_387] {strides = array<i32>} : memref<128x64xf32, #tpu.memory_space<vmem>>, vector<16xf32>,
      tpu.vector_store %arg13[%swap3A_386, %swap3A_387], %mul3A_385 {strides = array<i32>} : memref<128x64xf32, #tpu.memory_space<vmem>>, vector<16xf32>,
      %mul3A_389 = arith.mulf %scan3A_372#3, %div3A_376 : vector<16xf32>
      %swap3A_390 = arith.index_cast %add3A_311 : i32 to index
      %swap3A_391 = arith.constant 48 : index
      %swap3A_392 = tpu.vector_load %arg13[%swap3A_390, %swap3A_391] {strides = array<i32>} : memref<128x64xf32, #tpu.memory_space<vmem>>, vector<16xf32>,
      tpu.vector_store %arg13[%swap3A_390, %swap3A_391], %mul3A_389 {strides = array<i32>} : memref<128x64xf32, #tpu.memory_space<vmem>>, vector<16xf32>,
    }
    %scan3A_57 = arith.constant 32 : i32
    %dma_wait3A = arith.constant 0 : i32
    %dma_wait3A_58 = arith.constant 0 : i32
    %dma_wait3A_59 = tpu.memref_slice %arg5[%dma_wait3A, %dma_wait3A_58] : memref<1000000x64xf32, #tpu.memory_space<hbm>> -> memref<128x64xf32, #tpu.memory_space<hbm>>
    %dma_wait3A_60 = arith.constant 0 : i32
    %dma_wait3A_61 = arith.constant 0 : i32
    %dma_wait3A_62 = tpu.memref_slice %arg5[%dma_wait3A_60, %dma_wait3A_61] : memref<1000000x64xf32, #tpu.memory_space<hbm>> -> memref<128x64xf32, #tpu.memory_space<hbm>>
    tpu.wait_dma2 semaphore(%arg14 : memref<!tpu.dma_semaphore, #tpu.memory_space<semaphore_mem>>) src(%dma_wait3A_62 : memref<128x64xf32, #tpu.memory_space<hbm>>) dst(%arg11 : memref<128x64xf32, #tpu.memory_space<vmem>>)
    "tpu.region"() ({
      %run_scoped3A = tpu.sem_alloc : memref<!tpu.dma_semaphore, #tpu.memory_space<semaphore_mem>>
      %dma_start3A_63 = arith.constant 0 : i32
      %dma_start3A_64 = tpu.memref_slice %arg7[%mul3A_2, %dma_start3A_63] : memref<4096x64xf32, #tpu.memory_space<hbm>> -> memref<128x64xf32, #tpu.memory_space<hbm>>
      %dma_start3A_65 = arith.constant 0 : i32
      %dma_start3A_66 = tpu.memref_slice %arg7[%mul3A_2, %dma_start3A_65] : memref<4096x64xf32, #tpu.memory_space<hbm>> -> memref<128x64xf32, #tpu.memory_space<hbm>>
      tpu.enqueue_dma source(%arg11 : memref<128x64xf32, #tpu.memory_space<vmem>>) target(%dma_start3A_66 : memref<128x64xf32, #tpu.memory_space<hbm>>) target_semaphore(%run_scoped3A : memref<!tpu.dma_semaphore, #tpu.memory_space<semaphore_mem>>)
      %dma_wait3A_67 = arith.constant 0 : i32
      %dma_wait3A_68 = tpu.memref_slice %arg7[%mul3A_2, %dma_wait3A_67] : memref<4096x64xf32, #tpu.memory_space<hbm>> -> memref<128x64xf32, #tpu.memory_space<hbm>>
      %dma_wait3A_69 = arith.constant 0 : i32
      %dma_wait3A_70 = tpu.memref_slice %arg7[%mul3A_2, %dma_wait3A_69] : memref<4096x64xf32, #tpu.memory_space<hbm>> -> memref<128x64xf32, #tpu.memory_space<hbm>>
      tpu.wait_dma2 semaphore(%run_scoped3A : memref<!tpu.dma_semaphore, #tpu.memory_space<semaphore_mem>>) src(%arg11 : memref<128x64xf32, #tpu.memory_space<vmem>>) dst(%dma_wait3A_70 : memref<128x64xf32, #tpu.memory_space<hbm>>)
      tpu.yield
    }) : () -> ()
    "tpu.region"() ({
      %run_scoped3A = tpu.sem_alloc : memref<!tpu.dma_semaphore, #tpu.memory_space<semaphore_mem>>
      %dma_start3A_63 = arith.constant 0 : i32
      %dma_start3A_64 = tpu.memref_slice %arg6[%mul3A_2, %dma_start3A_63] : memref<4096x64xf32, #tpu.memory_space<hbm>> -> memref<128x64xf32, #tpu.memory_space<hbm>>
      %dma_start3A_65 = arith.constant 0 : i32
      %dma_start3A_66 = tpu.memref_slice %arg6[%mul3A_2, %dma_start3A_65] : memref<4096x64xf32, #tpu.memory_space<hbm>> -> memref<128x64xf32, #tpu.memory_space<hbm>>
      tpu.enqueue_dma source(%arg13 : memref<128x64xf32, #tpu.memory_space<vmem>>) target(%dma_start3A_66 : memref<128x64xf32, #tpu.memory_space<hbm>>) target_semaphore(%run_scoped3A : memref<!tpu.dma_semaphore, #tpu.memory_space<semaphore_mem>>)
      %dma_wait3A_67 = arith.constant 0 : i32
      %dma_wait3A_68 = tpu.memref_slice %arg6[%mul3A_2, %dma_wait3A_67] : memref<4096x64xf32, #tpu.memory_space<hbm>> -> memref<128x64xf32, #tpu.memory_space<hbm>>
      %dma_wait3A_69 = arith.constant 0 : i32
      %dma_wait3A_70 = tpu.memref_slice %arg6[%mul3A_2, %dma_wait3A_69] : memref<4096x64xf32, #tpu.memory_space<hbm>> -> memref<128x64xf32, #tpu.memory_space<hbm>>
      tpu.wait_dma2 semaphore(%run_scoped3A : memref<!tpu.dma_semaphore, #tpu.memory_space<semaphore_mem>>) src(%arg13 : memref<128x64xf32, #tpu.memory_space<vmem>>) dst(%dma_wait3A_70 : memref<128x64xf32, #tpu.memory_space<hbm>>)
      tpu.yield
    }) : () -> ()
    return
  }
}

module attributes {stable_mosaic.version = 14 : i64} {
  func.func @_mm_body(%arg0: memref<4096x64xf32, #tpu.memory_space<vmem>>, %arg1: memref<64x64xf32, #tpu.memory_space<vmem>>, %arg2: memref<1x64xf32, #tpu.memory_space<vmem>>, %arg3: memref<4096x64xf32, #tpu.memory_space<vmem>>) attributes {dimension_semantics = [], scalar_prefetch = 0 : i64, scratch_operands = 0 : i64, tpu.core_type = #tpu.core_type<tc>} {
    %get3A = arith.constant 0 : index
    %get3A_0 = arith.constant 0 : index
    %get3A_1 = vector.load %arg0[%get3A, %get3A_0] : memref<4096x64xf32, #tpu.memory_space<vmem>>, vector<4096x64xf32>
    %get3A_2 = arith.constant 0 : index
    %get3A_3 = arith.constant 0 : index
    %get3A_4 = vector.load %arg1[%get3A_2, %get3A_3] : memref<64x64xf32, #tpu.memory_space<vmem>>, vector<64x64xf32>
    %dot_general3A = arith.constant dense<0.000000e+00> : vector<4096x64xf32>
    %dot_general3A_5 = tpu.matmul %get3A_1, %get3A_4, %dot_general3A {dimension_numbers = #tpu.dot_dimension_numbers<[1], [0], [0], [1], [0, 0, 1, 1], [], []>, transpose_lhs_hint = false} : vector<4096x64xf32>, vector<64x64xf32>, vector<4096x64xf32> -> vector<4096x64xf32>
    %get3A_6 = arith.constant 0 : index
    %get3A_7 = arith.constant 0 : index
    %get3A_8 = vector.load %arg2[%get3A_6, %get3A_7] : memref<1x64xf32, #tpu.memory_space<vmem>>, vector<1x64xf32>
    %add3A = vector.broadcast %get3A_8 : vector<1x64xf32> to vector<4096x64xf32>
    %add3A_9 = arith.addf %dot_general3A_5, %add3A : vector<4096x64xf32>
    %swap3A = arith.constant 0 : index
    %swap3A_10 = arith.constant 0 : index
    %swap3A_11 = vector.load %arg3[%swap3A, %swap3A_10] : memref<4096x64xf32, #tpu.memory_space<vmem>>, vector<4096x64xf32>
    tpu.vector_store %arg3[%swap3A, %swap3A_10], %add3A_9 {strides = array<i32>} : memref<4096x64xf32, #tpu.memory_space<vmem>>, vector<4096x64xf32>,
    return
  }
}

</mosaic_0001>

<sc_bundles>
// kernel: kernel.4.cloned.1.call-start
scs
__scs_entry_jumppad:
0x0: {  	(pc) =	sbr.rel $0x88, $3  }
0x1: {  	(tag) =	ssettag $0x0;
	lr =	simm.s32 $0x1  }
0x2: {  	[smem:$0x3F9B] =	sst lr;
	_ =	strace $0xD0000000  }
0x3: {  	_ = 	snop  }
0x4: {  	_ = 	snop  }
0x5: {  	_ = 	snop  }
0x6: {  	_ = 	snop  }
0x7: {  	_ = 	snop  }
__scs_overlays_trampoline_lowered:
0x8: {  	[smem:$0x3FAA] =	sst s0  }
0x9: {  	[smem:$0x3FAB] =	sst s1  }
0xa: {  	[smem:$0x3FAC] =	sst s2  }
0xb: {  	[smem:$0x3FAD] =	sst s3  }
0xc: {  	[smem:$0x3FAE] =	sst s4  }
0xd: {  	[smem:$0x3FAF] =	sst s5  }
0xe: {  	[smem:$0x3FB0] =	sst s6  }
0xf: {  	[smem:$0x3FB1] =	sst s7  }
0x10: {  	[smem:$0x3FB2] =	sst s8  }
0x11: {  	[smem:$0x3FB3] =	sst s9;
	s0 =	simm.s32 @!p0 $0x0  }
0x12: {  	s1 =	sld [smem:$0x3F99];
	s0 =	simm.s32 @p0 $0x1  }
0x13: {  	[smem:$0x3FB4] =	sst s0;
	s0 =	simm.s32 @!p1 $0x0  }
0x14: {  	s2 =	sld [smem:$0x3F98];
	s0 =	simm.s32 @p1 $0x1  }
0x15: {  	[smem:$0x3FB5] =	sst s0;
	s0 =	simm.s32 @!p2 $0x0  }
0x16: {  	s3 =	sld [smem:$0x3FDB];
	s0 =	simm.s32 @p2 $0x1  }
0x17: {  	s4 =	simm.s32 $0x1BF5;
	[smem:$0x3FB7] =	sst s0  }
0x18: {  	s0 =	sld [smem:$0x3F9A];
	_ =	swait.ge [sflag:s4], $0x0  }
0x19: {  	s7 =	sld [smem:$0x3F9B]  }
0x1a: {  	s8 =	sadd.s32 $0xFFFFE003, lr  }
0x1b: {  	s9 =	sadd.s32 $0xFFFFFEF7, lr;
	s5 =	simm.s32 $0xFFFFFFFF;
	p2 =	slt.u32 s8, $0xFFFFF086  }
0x1c: {  	p1 =	slt.u32 s9, $0xF7A;
	s5 =	simm.s32 @!p2 $0x0  }
0x1d: {  	s5 =	simm.s32 @p1 $0x1;
	p0 =	seq.s32 s7, s2  }
0x1e: {  	s7 =	smul.u32 @!p0 $0xF7A, s2;
	p2 =	seq.s32 @!p0 s5, $0x0  }
0x1f: {  	s9 =	smul.u32 $0xF7A, s1;
	s8 =	simm.s32 @!p0 $0x1BF5;
	p2 =	por !p2, p0  }
0x20: {  	[sflag:s8] =	ssyncset.s32 @!p0 $0xFFFFF086;
	s6 =	sadd.s32 @!p0 s3, s7;
	s7 =	simm.s32 @!p0 $0x108  }
0x21: {  	s3 =	sadd.s32 s3, s9;
	s6 =	sadd.s32 @!p0 $0x88, s6;
	s7 =	simm.s32 @p2 $0x1082  }
0x22: {  	[simem:s7], [sflag:s8] =	dma.local @!p0 [hbm:s6], $0xF7A  }
0x23: {  	s9 =	sor.u32 $0xD0000000, s2;
	s6 =	simm.s32 $0x108;
	_ =	swait.ge @!p0 [sflag:s8], $0x0  }
0x24: {  	s3 =	sadd.s32 $0x88, s3;
	s6 =	simm.s32 @!p1 $0x1082;
	[sflag:s4] =	ssyncset.s32 $0xFFFFF086  }
0x25: {  	[simem:s6], [sflag:s4] =	dma.local [hbm:s3], $0xF7A  }
0x26: {  	[smem:$0x3F9B] =	sst s1;
	(tag) =	ssettag s2;
	_ =	strace s9  }
0x27: {  	s1 =	sld [smem:$0x3FAB]  }
0x28: {  	s2 =	sld [smem:$0x3FAC]  }
0x29: {  	s4 =	sld [smem:$0x3FAE]  }
0x2a: {  	p0 =	seq.s32 s5, $0x0;
	s5 =	sld [smem:$0x3FAF]  }
0x2b: {  	s6 =	sld [smem:$0x3FB0]  }
0x2c: {  	s7 =	sld [smem:$0x3FB1]  }
0x2d: {  	s3 =	simm.s32 $0x108;
	s8 =	sld [smem:$0x3FB2]  }
0x2e: {  	s3 =	simm.s32 @!p0 $0x1082;
	s9 =	sld [smem:$0x3FB3]  }
0x2f: {  	lr =	sadd.s32 s0, s3;
	s0 =	sld [smem:$0x3FAA]  }
0x30: {  	s3 =	sld [smem:$0x3FAD]  }
0x31: {  	[smem:$0x3FB6] =	sst s10  }
0x32: {  	s10 =	sld [smem:$0x3FB4];
	_ =	sdelay $0x3  }
0x33: {  	p0 =	seq.s32 s10, $0x1;
	s10 =	sld [smem:$0x3FB6];
	_ =	sdelay $0x3  }
0x34: {  	[smem:$0x3FB6] =	sst s10  }
0x35: {  	s10 =	sld [smem:$0x3FB5];
	_ =	sdelay $0x3  }
0x36: {  	p1 =	seq.s32 s10, $0x1;
	s10 =	sld [smem:$0x3FB6];
	_ =	sdelay $0x3  }
0x37: {  	[smem:$0x3FB6] =	sst s10  }
0x38: {  	s10 =	sld [smem:$0x3FB7]  }
0x39: {  	_ = 	snop;
	(pc) =	sbr.ind lr, $3  }
0x3a: {  	_ = 	snop  }
0x3b: {  	_ = 	snop  }
0x3c: {  	p2 =	seq.s32 s10, $0x1;
	s10 =	sld [smem:$0x3FB6]  }
0x3d: {  	_ =	shalt  }
0x3e: {  	_ =	shalt  }
0x3f: {  	_ =	shalt  }
0x40: {  	_ =	shalt  }
0x41: {  	_ =	shalt  }
0x42: {  	_ =	shalt  }
0x43: {  	_ =	shalt  }
0x44: {  	_ =	shalt  }
0x45: {  	_ =	shalt  }
0x46: {  	_ =	shalt  }
0x47: {  	_ =	shalt  }
0x48: {  	_ =	shalt  }
0x49: {  	_ =	shalt  }
0x4a: {  	_ =	shalt  }
0x4b: {  	_ =	shalt  }
0x4c: {  	_ =	shalt  }
0x4d: {  	_ =	shalt  }
0x4e: {  	_ =	shalt  }
0x4f: {  	_ =	shalt  }
0x50: {  	_ =	shalt  }
0x51: {  	_ =	shalt  }
0x52: {  	_ =	shalt  }
0x53: {  	_ =	shalt  }
0x54: {  	_ =	shalt  }
0x55: {  	_ =	shalt  }
0x56: {  	_ =	shalt  }
0x57: {  	_ =	shalt  }
0x58: {  	_ =	shalt  }
0x59: {  	_ =	shalt  }
0x5a: {  	_ =	shalt  }
0x5b: {  	_ =	shalt  }
0x5c: {  	_ =	shalt  }
0x5d: {  	_ =	shalt  }
0x5e: {  	_ =	shalt  }
0x5f: {  	_ =	shalt  }
0x60: {  	_ =	shalt  }
0x61: {  	_ =	shalt  }
0x62: {  	_ =	shalt  }
0x63: {  	_ =	shalt  }
0x64: {  	_ =	shalt  }
0x65: {  	_ =	shalt  }
0x66: {  	_ =	shalt  }
0x67: {  	_ =	shalt  }
0x68: {  	_ =	shalt  }
0x69: {  	_ =	shalt  }
0x6a: {  	_ =	shalt  }
0x6b: {  	_ =	shalt  }
0x6c: {  	_ =	shalt  }
0x6d: {  	_ =	shalt  }
0x6e: {  	_ =	shalt  }
0x6f: {  	_ =	shalt  }
0x70: {  	_ =	shalt  }
0x71: {  	_ =	shalt  }
0x72: {  	_ =	shalt  }
0x73: {  	_ =	shalt  }
0x74: {  	_ =	shalt  }
0x75: {  	_ =	shalt  }
0x76: {  	_ =	shalt  }
0x77: {  	_ =	shalt  }
0x78: {  	_ =	shalt  }
0x79: {  	_ =	shalt  }
0x7a: {  	_ =	shalt  }
0x7b: {  	_ =	shalt  }
0x7c: {  	_ =	shalt  }
0x7d: {  	_ =	shalt  }
0x7e: {  	_ =	shalt  }
0x7f: {  	_ =	shalt  }
0x80: {  	_ =	shalt  }
0x81: {  	_ =	shalt  }
0x82: {  	_ =	shalt  }
0x83: {  	_ =	shalt  }
0x84: {  	_ =	shalt  }
0x85: {  	_ =	shalt  }
0x86: {  	_ =	shalt  }
0x87: {  	_ =	shalt  }
.Lfunc_end0:
.L_simem_size_0:
called_computation_lowered:
.L_overlay_start_0:
0x88: {  	s2 =	sld [smem:$0x3FD9]  }
0x89: {  	s3 =	sld [smem:$0x3FFE];
	_ =	sdelay $0x1  }
0x8a: {  	s1 =	srdreg.scid  }
0x8b: {  	s0 =	sand.u32 $0x1, s1  }
0x8c: {  	s14 =	sshll.u32 s0, $0xA;
	s2 =	sadd.s32 s3, s2  }
0x8d: {  	s2 =	sadd.s32 s2, s14  }
0x8e: {  	[smem:$0x3FC2] =	sst s2  }
0x8f: {  	_ = 	snop  }
0x90: {  	s2 =	sld [smem:$0x3FD0];
	_ =	sdelay $0x2  }
0x91: {  	s4 =	simm.s32 $0xA;
	s5 =	simm.s32 $0x10;
	s15 =	sld [smem:$0x3FC9]  }
0x92: {  	[smem:s5], [sflag:s4] =	dma.local [hbm:s2], $0x1  }
0x93: {  	_ =	swait.eq [sflag:s4], $0x1  }
0x94: {  	[sflag:s4] =	ssyncset.done $0x0  }
0x95: {  	[sflag:s4] =	ssyncadd.s32 $0xFFFFFFFF  }
0x96: {  	s16 =	sld [smem:$0x11];
	(tm) =	ssettm $0x1  }
0x97: {  	s17 =	sld [smem:$0x3FFB];
	_ =	sdelay $0x3  }
0x98: {  	_ =	strace s17  }
0x99: {  	s4 =	sld [smem:$0x3FFC];
	_ =	sdelay $0x3  }
0x9a: {  	_ =	strace s4  }
0x9b: {  	s4 =	sld [smem:$0x3FFD];
	_ =	sdelay $0x3  }
0x9c: {  	_ =	strace s4  }
0x9d: {  	_ =	strace $0x8FFFFFFF  }
0x9e: {  	s18 =	sld [smem:$0x3FDB];
	_ =	sdelay $0x1  }
0x9f: {  	s19 =	simm.s32 $_scs_section_size  }
0xa0: {  	s6 =	simm.s32 $_size__tile_overlayer_lowered;
	s7 =	simm.s32 $_tile_overlayer_lowered  }
0xa1: {  	s22 =	simm.s32 $0x1BFF;
	s21 =	sshll.u32 s7, $0x1;
	s4 =	sadd.s32 s19, s18  }
0xa2: {  	s8 =	simm.s32 $0x0;
	s20 =	sshll.u32 s6, $0x1;
	s6 =	sadd.s32 s21, s4  }
0xa3: {  	[timem:s8], [sflag:s22] =	dma.local [hbm:s6], s20  }
0xa4: {  	_ =	swait.ge [sflag:s22], s20  }
0xa5: {  	s5 =	ssub.s32 $0x0, s20;
	[sflag:s22] =	ssyncset.done $0x0  }
0xa6: {  	[sflag:s22] =	ssyncadd.s32 s5;
	_ =	sdelay $0x1  }
0xa7: {  	s23 =	simm.s32 $0x1B8B  }
0xa8: {  	_ =	swait.ge [sflag:s23], $0x1  }
0xa9: {  	[sflag:s23] =	ssyncset.done $0x0  }
0xaa: {  	s25 =	simm.s32 $0x1B8E;
	s24 =	sld [smem:$0x3FFE];
	[sflag:s23] =	ssyncadd.s32 $0xFFFFFFFF  }
0xab: {  	s26 =	simm.s32 $execute0_lowered;
	[smem:$0x3FD2] =	sst s25  }
0xac: {  	s6 =	sshll.u32 s26, $0x1;
	_ =	strace $0x80000046;
	[dreg:$0x1] =	wrdreg $0xFFFFFFFF  }
0xad: {  	s28 =	simm.s32 $_size_execute0_lowered;
	s4 =	sadd.s32 s4, s6;
	[dreg:$0x0] =	wrdreg $0x0  }
0xae: {  	s6 =	sshll.u32 s28, $0x1;
	[dreg:$0x2] =	wrdreg s4  }
0xaf: {  	[dreg:$0x3] =	wrdreg s6  }
0xb0: {  	[dreg:$0x4] =	wrdreg $0xC0  }
0xb1: {  	_ =	task [dreg:s8], $0x5FFFF  }
0xb2: {  	[dreg:$0x1] =	wrdreg $0xFFFFFFFF  }
0xb3: {  	[dreg:$0x0] =	wrdreg $0x60  }
0xb4: {  	[dreg:$0x2] =	wrdreg s15  }
0xb5: {  	[dreg:$0x3] =	wrdreg s24  }
0xb6: {  	[dreg:$0x4] =	wrdreg s16  }
0xb7: {  	[dreg:$0x5] =	wrdreg $0x9  }
0xb8: {  	_ =	task.clear_ibuf [dreg:s8], $0x6FFFF;
	_ =	strace $0x90000046  }
0xb9: {  	s29 =	simm.s32 $0x9;
	_ =	strace $0x80000048  }
0xba: {  	_ =	swait.ge [sflag:s29], $0x1  }
0xbb: {  	[sflag:s29] =	ssyncadd.s32 $0xFFFFFFFF  }
0xbc: {  	_ =	strace $0x90000048  }
0xbd: {  	_ =	sfence  }
0xbe: {  	s30 =	sld [smem:$0x0];
	_ =	sdelay $0x2  }
0xbf: {  	s31 =	sshll.u32 s1, $0xD;
	s1 =	sshrl.u32 s1, $0x2  }
0xc0: {  	s3 =	sand.u32 $0x4000, s31;
	s1 =	sadd.s32 s1, s30  }
0xc1: {  	s0 =	sor.u32 s3, s0;
	s1 =	sshll.u32 s1, $0x11  }
0xc2: {  	s0 =	sor.u32 s1, s0  }
0xc3: {  	s0 =	sadd.s32 $0x8F2B, s0  }
0xc4: {  	[sflag:s0] =	ssyncadd.remote.s32 $0x1  }
0xc5: {  	_ =	sfence.sel $0xFFFF  }
0xc6: {  	[dreg:$0x0] =	wrdreg $0xFFFFFFFF;
	(pc) =	sbr.abs _section_cstart, $3  }
0xc7: {  	[dreg:$0x1] =	wrdreg $0xFFFFFFFF  }
0xc8: {  	_ =	task.clear_ibuf [dreg:s8], $0x2FFFF;
	_ =	strace $0x9FFFFFFF  }
0xc9: {  	(tm) =	ssettm $0x7FFFFFFF  }
tec
execute0_lowered:
.L_overlay_start_1:
0x0: {  	(tag) =	ssettag $0x1  }
0x1: {  	s0 =	srdreg.scid;
	s1 =	rddreg [dreg:$0x0]  }
0x2: {  	s2 =	stileid.u32;
	s4 =	rddreg [dreg:$0x1]  }
0x3: {  	s8 =	rddreg [dreg:$0x2];
	s10 =	simm.s32 $0x6;
	s11 =	simm.s32 $0x80  }
0x4: {  	s13 =	simm.s32 $0x68;
	s15 =	simm.s32 $0x60;
	s22 =	simm.s32 $0xC880  }
0x5: {  	s23 =	simm.s32 $0x14C80;
	s24 =	simm.s32 $0x16680;
	s25 =	simm.s32 $0x2  }
0x6: {  	s26 =	simm.s32 $0x17E80;
	s28 =	simm.s32 $0x19880;
	s29 =	simm.s32 $0x3  }
0x7: {  	s30 =	simm.s32 $0x4;
	s31 =	simm.s32 $0x5;
	s0 =	sand.u32 $0x1, s0  }
0x8: {  	s12 =	simm.s32 $0x0;
	s2 =	sshll.u32 s2, $0x8;
	s3 =	sshll.u32 s0, $0x7  }
0x9: {  	s0 =	ssub.s32 $0x2, s0;
	s5 =	sor.u32 s3, s2;
	s2 =	simm.s32 $0x0  }
0xa: {  	s7 =	sshrl.u32 s0, $0x1;
	s3 =	smul.u32 $0x19, s5;
	[smem:$0x7FF] =	sst s2  }
0xb: {  	s9 =	sshll.u32 s5, $0x3;
	s0 =	ssub.s32 s0, s7;
	s5 =	sshrl.u32 s5, $0x3  }
0xc: {  	_ =	strace $0x80000047;
	s1 =	sadd.s32 s1, s5;
	s8 =	sadd.s32 s8, s9  }
0xd: {  	s6 =	sadd.s32 s3, s4;
	s3 =	sadd.s32 $0xF43600, s4;
	s4 =	sadd.s32 s9, s4  }
0xe: {  	[dreg:$0x4] =	wrdreg s1;
	s9 =	smax.u32 s0, $0x1;
	s1 =	simm.s32 $0x1  }
0xf: {  	vm0 =	vmmov $0xff;
	s5 =	sadd.s32 $0x1A200, s6;
	s6 =	sadd.s32 $0x1200, s6;
	s7 =	sadd.s32 $0x33200, s4  }
.LBB2_1:
0x10: {  	s0 =	rddreg [dreg:$0x4]  }
0x11: {  	[tilespmem:s2], [sflag:$0x6] =	stream.linear.gather [hbm4b:s0+s2], $0x80, $0x38;
	[tilespmem:$0x1D080] =	vst v63  }
0x12: {  	_ =	swait.ge [sflag:s10], $0x80  }
0x13: {  	[sflag:s10] =	ssyncset.done $0x0  }
0x14: {  	[sflag:s10] =	ssyncadd.s32 $0xFFFFFF80  }
0x15: {  	[tilespmem:s11], [sflag:$0x6] =	stream.linear.gather [hbm4b:s5+s2], $0x6400, $0x38;
	[tilespmem:$0x1D080] =	vst v63  }
0x16: {  	_ =	swait.ge [sflag:s10], $0x6400  }
0x17: {  	[sflag:s10] =	ssyncset.done $0x0  }
0x18: {  	s14 =	simm.s32 $0x6480;
	[sflag:s10] =	ssyncadd.s32 $0xFFFF9C00  }
0x19: {  	[tilespmem:s14], [sflag:$0x6] =	stream.linear.gather [hbm4b:s6+s2], $0x6400, $0x38;
	[tilespmem:$0x1D080] =	vst v63  }
0x1a: {  	_ =	swait.ge [sflag:s10], $0x6400  }
0x1b: {  	[sflag:s10] =	ssyncset.done $0x0  }
0x1c: {  	s16 =	simm.s32 $0xE880;
	[sflag:s10] =	ssyncadd.s32 $0xFFFF9C00  }
0x1d: {  	[tilespmem:s16], [sflag:$0x2] =	stream.indirect.gather [hbm4b:s3+s13], $0x40, s11, s13, $0xb8;
	[tilespmem:$0x1D080] =	vst v63  }
0x1e: {  	s17 =	simm.s32 $0xE8;
	s4 =	simm.s32 $0x10280  }
0x1f: {  	[tilespmem:s4], [sflag:$0x2] =	stream.indirect.gather [hbm4b:s3+s15], $0x40, s17, s15, $0xb8;
	[tilespmem:$0x1D080] =	vst v63  }
0x20: {  	s18 =	simm.s32 $0x148;
	s19 =	simm.s32 $0x11A80  }
0x21: {  	[tilespmem:s19], [sflag:$0x3] =	stream.indirect.gather [hbm4b:s3+s13], $0x40, s18, s13, $0xb8;
	[tilespmem:$0x1D080] =	vst v63  }
0x22: {  	s20 =	simm.s32 $0x1B0;
	s21 =	simm.s32 $0x13480  }
0x23: {  	[tilespmem:s21], [sflag:$0x3] =	stream.indirect.gather [hbm4b:s3+s15], $0x40, s20, s15, $0xb8;
	[tilespmem:$0x1D080] =	vst v63  }
0x24: {  	s14 =	simm.s32 $0x0  }
0x25: {  	[tilespmem:s22], [sflag:$0x1] =	stream.indirect.gather [hbm4b:s3+s11], $0x40, s2, s11, $0xb8;
	[tilespmem:$0x1D080] =	vst v63  }
.LBB2_2:
0x26: {  	s21 =	sshll.u32 s14, $0x2  }
0x27: {  	s17 =	sor.u32 $0x2, s21  }
0x28: {  	s0 =	smul.u32 $0x320, s17;
	_ =	sdelay $0x1  }
0x29: {  	s18 =	sshra.s32 s0, $0x2  }
0x2a: {  	s0 =	sadd.s32 $0x80, s18  }
0x2b: {  	[tilespmem:s23], [sflag:$0x4] =	stream.indirect.gather [hbm4b:s3+s13], $0x40, s0, s13, $0xb8;
	[tilespmem:$0x1D080] =	vst v63  }
0x2c: {  	s4 =	sadd.s32 $0xE8, s18  }
0x2d: {  	[tilespmem:s24], [sflag:$0x4] =	stream.indirect.gather [hbm4b:s3+s15], $0x40, s4, s15, $0xb8;
	[tilespmem:$0x1D080] =	vst v63  }
0x2e: {  	s20 =	smul.u32 $0xC80, s14;
	_ =	swait.ge [sflag:s25], $0x3200  }
0x2f: {  	[sflag:s25] =	ssyncset.done $0x0  }
0x30: {  	s16 =	sshra.s32 s20, $0x2;
	[sflag:s25] =	ssyncadd.s32 $0xFFFFCE00  }
0x31: {  	v3 =	vld [tilespmem:s16+$0x6480]  }
0x32: {  	v4 =	vld [tilespmem:s16+$0x6490]  }
0x33: {  	v5 =	vld [tilespmem:s16+$0x64A0]  }
0x34: {  	v6 =	vld [tilespmem:s16+$0x64B0]  }
0x35: {  	v7 =	vld [tilespmem:s16+$0x64C0]  }
0x36: {  	v8 =	vld [tilespmem:s16+$0x64D0]  }
0x37: {  	v9 =	vld [tilespmem:s16+$0x64E0]  }
0x38: {  	v10 =	vld [tilespmem:s16+$0x64F0]  }
0x39: {  	v11 =	vld [tilespmem:s16+$0x6500]  }
0x3a: {  	v12 =	vld [tilespmem:s16+$0x6510]  }
0x3b: {  	v13 =	vld [tilespmem:s16+$0x6520]  }
0x3c: {  	v14 =	vld [tilespmem:s16+$0x6530]  }
0x3d: {  	s19 =	simm.s32 $0xE900;
	v15 =	vld [tilespmem:s16+$0x6538]  }
0x3e: {  	v0 =	vld [tilespmem:s19+$0x40]  }
0x3f: {  	v1 =	vld [tilespmem:s19+$0x50]  }
0x40: {  	v2 =	vld [tilespmem:s19+$0x0]  }
0x41: {  	v16 =	vld [tilespmem:s19+$0x10]  }
0x42: {  	v22 =	vld [tilespmem:s19+$0xFFFFFFC0]  }
0x43: {  	v25 =	vld [tilespmem:s19+$0xFFFFFFD0]  }
0x44: {  	v18 =	vld [tilespmem:s19+$0xFFFFFF80]  }
0x45: {  	v20 =	vld [tilespmem:s19+$0xFFFFFF90]  }
0x46: {  	v23 =	vld [tilespmem:s19+$0xFFFFFFA0]  }
0x47: {  	v26 =	vld [tilespmem:s19+$0xFFFFFFB0]  }
0x48: {  	v19 =	vld [tilespmem:s19+$0xFFFFFFE0]  }
0x49: {  	v21 =	vld [tilespmem:s19+$0xFFFFFFF0]  }
0x4a: {  	v27 =	vimm.f32 $0.0e+00;
	v17 =	vld [tilespmem:s19+$0x20]  }
0x4b: {  	v28 =	vadd.f32 v18, v27;
	v29 =	vadd.f32 v20, v27;
	v20 =	vld [tilespmem:s19+$0x30]  }
0x4c: {  	v24 =	vadd.f32 v23, v27;
	v23 =	vadd.f32 v26, v27;
	v18 =	vld [tilespmem:s19+$0x60]  }
0x4d: {  	s0 =	simm.s32 $0xEA00;
	s16 =	simm.s32 $0x0;
	v26 =	vadd.f32 v22, v28;
	v25 =	vadd.f32 v25, v29;
	v22 =	vld [tilespmem:s19+$0x70]  }
.LBB2_3:
0x4e: {  	v27 =	vld [tilespmem:s0+$0x40];
	v19 =	vadd.f32 v19, v24;
	v21 =	vadd.f32 v21, v23  }
0x4f: {  	v23 =	vld [tilespmem:s0+$0x50];
	v24 =	vadd.f32 v2, v26;
	v25 =	vadd.f32 v16, v25  }
0x50: {  	v2 =	vld [tilespmem:s0+$0x0];
	v17 =	vadd.f32 v17, v19;
	v19 =	vadd.f32 v20, v21  }
0x51: {  	v16 =	vld [tilespmem:s0+$0x10];
	v20 =	vadd.f32 v0, v24;
	v24 =	vadd.f32 v1, v25  }
0x52: {  	v25 =	vld [tilespmem:s0+$0xFFFFFFC0];
	v18 =	vadd.f32 v18, v17;
	v22 =	vadd.f32 v22, v19  }
0x53: {  	v28 =	vld [tilespmem:s0+$0xFFFFFFD0];
	v0 =	vmov v27  }
0x54: {  	v26 =	vld [tilespmem:s0+$0xFFFFFF80];
	v1 =	vmov v23  }
0x55: {  	v23 =	vld [tilespmem:s0+$0xFFFFFF90]  }
0x56: {  	v27 =	vld [tilespmem:s0+$0xFFFFFFA0]  }
0x57: {  	s16 =	sadd.s32 $0x4, s16;
	v29 =	vld [tilespmem:s0+$0xFFFFFFB0]  }
0x58: {  	p0 =	slt.u32 s16, $0xC4;
	v19 =	vld [tilespmem:s0+$0xFFFFFFE0]  }
.Ltmp0:
0x59: {  	v21 =	vld [tilespmem:s0+$0xFFFFFFF0];
	(pc) =	sbr.rel @p0 .LBB2_3-.Ltmp0, $4  }
0x5a: {  	v17 =	vld [tilespmem:s0+$0x20]  }
0x5b: {  	v26 =	vadd.f32 v26, v20;
	v30 =	vadd.f32 v23, v24;
	v20 =	vld [tilespmem:s0+$0x30]  }
0x5c: {  	v24 =	vadd.f32 v27, v18;
	v23 =	vadd.f32 v29, v22;
	v18 =	vld [tilespmem:s0+$0x60]  }
0x5d: {  	v26 =	vadd.f32 v25, v26;
	v25 =	vadd.f32 v28, v30;
	v22 =	vld [tilespmem:s0+$0x70];
	s0 =	sadd.s32 $0x100, s0  }
0x5e: {  	v3 =	vadd.f32 $0.0e+00, v3;
	_ =	sdelay $0x1  }
0x5f: {  	v3 =	vadd.f32 v4, v3;
	_ =	sdelay $0x1  }
0x60: {  	v3 =	vadd.f32 v5, v3;
	_ =	sdelay $0x1  }
0x61: {  	v3 =	vadd.f32 v6, v3;
	_ =	sdelay $0x1  }
0x62: {  	v3 =	vadd.f32 v7, v3;
	_ =	sdelay $0x1  }
0x63: {  	v3 =	vadd.f32 v8, v3;
	_ =	sdelay $0x1  }
0x64: {  	v3 =	vadd.f32 v9, v3;
	_ =	sdelay $0x1  }
0x65: {  	v3 =	vadd.f32 v10, v3;
	_ =	sdelay $0x1  }
0x66: {  	v3 =	vadd.f32 v11, v3;
	_ =	sdelay $0x1  }
0x67: {  	v3 =	vadd.f32 v12, v3;
	_ =	sdelay $0x1  }
0x68: {  	v3 =	vadd.f32 v13, v3;
	_ =	sdelay $0x1  }
0x69: {  	v3 =	vadd.f32 v14, v3  }
0x6a: {  	v4 =	vsel vm0, $0x0, v15  }
0x6b: {  	v3 =	vadd.f32 v4, v3;
	_ =	sdelay $0x1  }
0x6c: {  	(xrf2) =	vadd.scan.msk.f32 $0xffff, v3;
	_ =	sdelay $0x9  }
0x6d: {  	v3, _, _ =	vpop (xrf2)  }
0x6e: {  	v3 =	vadd.f32 $9.999999710e-10, v3;
	_ =	sdelay $0x1  }
0x6f: {  	v3 =	vbroadcast v3, $0xF;
	_ =	sdelay $0x1  }
0x70: {  	(erf) = vrcp.f32 v3;
	_ =	sdelay $0x4  }
0x71: {  	v4 =	vadd.f32 v21, v23  }
0x72: {  	v2 =	vadd.f32 v2, v26;
	v3 =	vadd.f32 v19, v24  }
0x73: {  	v5 =	vadd.f32 v16, v25  }
0x74: {  	v0 =	vadd.f32 v0, v2;
	v3 =	vadd.f32 v17, v3  }
0x75: {  	v1 =	vadd.f32 v1, v5;
	v2 =	vadd.f32 v20, v4;
	v4 =	vpop (erf)  }
0x76: {  	s0 =	sshll.u32 s14, $0x8;
	v3 =	vadd.f32 v18, v3;
	v0 =	vmul.f32 v0, v4  }
0x77: {  	s16 =	sor.u32 $0x3, s21;
	s0 =	sand.u32 $0x3FFFFF00, s0;
	v2 =	vadd.f32 v22, v2;
	v1 =	vmul.f32 v1, v4  }
0x78: {  	s4 =	smul.u32 $0x320, s16;
	[tilespmem:s0+$0x1B080] =	vst v0;
	v0 =	vmul.f32 v3, v4  }
0x79: {  	[tilespmem:s0+$0x1B090] =	vst v1;
	v1 =	vmul.f32 v2, v4  }
0x7a: {  	s19 =	sshra.s32 s4, $0x2;
	[tilespmem:s0+$0x1B0A0] =	vst v0  }
0x7b: {  	s4 =	sadd.s32 $0x80, s19;
	[tilespmem:s0+$0x1B0B0] =	vst v1  }
0x7c: {  	[tilespmem:s26], [sflag:$0x5] =	stream.indirect.gather [hbm4b:s3+s13], $0x40, s4, s13, $0xb8;
	[tilespmem:$0x1D080] =	vst v63  }
0x7d: {  	s21 =	sor.u32 $0x1, s21;
	s4 =	sadd.s32 $0xE8, s19  }
0x7e: {  	[tilespmem:s28], [sflag:$0x5] =	stream.indirect.gather [hbm4b:s3+s15], $0x40, s4, s15, $0xb8;
	[tilespmem:$0x1D080] =	vst v63  }
0x7f: {  	s4 =	smul.u32 $0x320, s21;
	_ =	swait.ge [sflag:s29], $0x3200  }
0x80: {  	[sflag:s29] =	ssyncset.done $0x0  }
0x81: {  	s0 =	sshra.s32 s4, $0x2;
	[sflag:s29] =	ssyncadd.s32 $0xFFFFCE00  }
0x82: {  	v3 =	vld [tilespmem:s0+$0x6480]  }
0x83: {  	v4 =	vld [tilespmem:s0+$0x6490]  }
0x84: {  	v5 =	vld [tilespmem:s0+$0x64A0]  }
0x85: {  	v6 =	vld [tilespmem:s0+$0x64B0]  }
0x86: {  	v7 =	vld [tilespmem:s0+$0x64C0]  }
0x87: {  	v8 =	vld [tilespmem:s0+$0x64D0]  }
0x88: {  	v9 =	vld [tilespmem:s0+$0x64E0]  }
0x89: {  	v10 =	vld [tilespmem:s0+$0x64F0]  }
0x8a: {  	v11 =	vld [tilespmem:s0+$0x6500]  }
0x8b: {  	v12 =	vld [tilespmem:s0+$0x6510]  }
0x8c: {  	v13 =	vld [tilespmem:s0+$0x6520]  }
0x8d: {  	v14 =	vld [tilespmem:s0+$0x6530]  }
0x8e: {  	s4 =	simm.s32 $0x11B70;
	v15 =	vld [tilespmem:s0+$0x6538]  }
0x8f: {  	v0 =	vld [tilespmem:s4+$0xFFFFFFD0]  }
0x90: {  	v1 =	vld [tilespmem:s4+$0xFFFFFFE0]  }
0x91: {  	v2 =	vld [tilespmem:s4+$0xFFFFFF90]  }
0x92: {  	v16 =	vld [tilespmem:s4+$0xFFFFFFA0]  }
0x93: {  	v22 =	vld [tilespmem:s4+$0xFFFFFF50]  }
0x94: {  	v25 =	vld [tilespmem:s4+$0xFFFFFF60]  }
0x95: {  	v18 =	vld [tilespmem:s4+$0xFFFFFF10]  }
0x96: {  	v20 =	vld [tilespmem:s4+$0xFFFFFF20]  }
0x97: {  	v23 =	vld [tilespmem:s4+$0xFFFFFF30]  }
0x98: {  	v26 =	vld [tilespmem:s4+$0xFFFFFF40]  }
0x99: {  	v19 =	vld [tilespmem:s4+$0xFFFFFF70]  }
0x9a: {  	v21 =	vld [tilespmem:s4+$0xFFFFFF80]  }
0x9b: {  	v27 =	vimm.f32 $0.0e+00;
	v17 =	vld [tilespmem:s4+$0xFFFFFFB0]  }
0x9c: {  	v28 =	vadd.f32 v18, v27;
	v29 =	vadd.f32 v20, v27;
	v20 =	vld [tilespmem:s4+$0xFFFFFFC0]  }
0x9d: {  	v24 =	vadd.f32 v23, v27;
	v23 =	vadd.f32 v26, v27;
	v18 =	vld [tilespmem:s4+$0xFFFFFFF0]  }
0x9e: {  	s0 =	simm.s32 $0x0;
	v26 =	vadd.f32 v22, v28;
	v25 =	vadd.f32 v25, v29;
	v22 =	vld [tilespmem:s4+$0x0];
	s4 =	simm.s32 $0x11C70  }
.LBB2_5:
0x9f: {  	v27 =	vld [tilespmem:s4+$0xFFFFFFD0];
	v19 =	vadd.f32 v19, v24;
	v21 =	vadd.f32 v21, v23  }
0xa0: {  	v23 =	vld [tilespmem:s4+$0xFFFFFFE0];
	v24 =	vadd.f32 v2, v26;
	v25 =	vadd.f32 v16, v25  }
0xa1: {  	v2 =	vld [tilespmem:s4+$0xFFFFFF90];
	v17 =	vadd.f32 v17, v19;
	v19 =	vadd.f32 v20, v21  }
0xa2: {  	v16 =	vld [tilespmem:s4+$0xFFFFFFA0];
	v20 =	vadd.f32 v0, v24;
	v24 =	vadd.f32 v1, v25  }
0xa3: {  	v25 =	vld [tilespmem:s4+$0xFFFFFF50];
	v18 =	vadd.f32 v18, v17;
	v22 =	vadd.f32 v22, v19  }
0xa4: {  	v28 =	vld [tilespmem:s4+$0xFFFFFF60];
	v0 =	vmov v27  }
0xa5: {  	v26 =	vld [tilespmem:s4+$0xFFFFFF10];
	v1 =	vmov v23  }
0xa6: {  	v23 =	vld [tilespmem:s4+$0xFFFFFF20]  }
0xa7: {  	v27 =	vld [tilespmem:s4+$0xFFFFFF30]  }
0xa8: {  	s0 =	sadd.s32 $0x4, s0;
	v29 =	vld [tilespmem:s4+$0xFFFFFF40]  }
0xa9: {  	p0 =	slt.u32 s0, $0xC4;
	v19 =	vld [tilespmem:s4+$0xFFFFFF70]  }
.Ltmp1:
0xaa: {  	v21 =	vld [tilespmem:s4+$0xFFFFFF80];
	(pc) =	sbr.rel @p0 .LBB2_5-.Ltmp1, $4  }
0xab: {  	v17 =	vld [tilespmem:s4+$0xFFFFFFB0]  }
0xac: {  	v26 =	vadd.f32 v26, v20;
	v30 =	vadd.f32 v23, v24;
	v20 =	vld [tilespmem:s4+$0xFFFFFFC0]  }
0xad: {  	v24 =	vadd.f32 v27, v18;
	v23 =	vadd.f32 v29, v22;
	v18 =	vld [tilespmem:s4+$0xFFFFFFF0]  }
0xae: {  	v26 =	vadd.f32 v25, v26;
	v25 =	vadd.f32 v28, v30;
	v22 =	vld [tilespmem:s4+$0x0];
	s4 =	sadd.s32 $0x100, s4  }
0xaf: {  	v3 =	vadd.f32 $0.0e+00, v3;
	_ =	sdelay $0x1  }
0xb0: {  	v3 =	vadd.f32 v4, v3;
	_ =	sdelay $0x1  }
0xb1: {  	v3 =	vadd.f32 v5, v3;
	_ =	sdelay $0x1  }
0xb2: {  	v3 =	vadd.f32 v6, v3;
	_ =	sdelay $0x1  }
0xb3: {  	v3 =	vadd.f32 v7, v3;
	_ =	sdelay $0x1  }
0xb4: {  	v3 =	vadd.f32 v8, v3;
	_ =	sdelay $0x1  }
0xb5: {  	v3 =	vadd.f32 v9, v3;
	_ =	sdelay $0x1  }
0xb6: {  	v3 =	vadd.f32 v10, v3;
	_ =	sdelay $0x1  }
0xb7: {  	v3 =	vadd.f32 v11, v3;
	_ =	sdelay $0x1  }
0xb8: {  	v3 =	vadd.f32 v12, v3;
	_ =	sdelay $0x1  }
0xb9: {  	v3 =	vadd.f32 v13, v3;
	_ =	sdelay $0x1  }
0xba: {  	v3 =	vadd.f32 v14, v3  }
0xbb: {  	v4 =	vsel vm0, $0x0, v15  }
0xbc: {  	v3 =	vadd.f32 v4, v3;
	_ =	sdelay $0x1  }
0xbd: {  	(xrf2) =	vadd.scan.msk.f32 $0xffff, v3;
	_ =	sdelay $0x9  }
0xbe: {  	v3, _, _ =	vpop (xrf2)  }
0xbf: {  	v3 =	vadd.f32 $9.999999710e-10, v3;
	_ =	sdelay $0x1  }
0xc0: {  	v3 =	vbroadcast v3, $0xF;
	_ =	sdelay $0x1  }
0xc1: {  	(erf) = vrcp.f32 v3;
	_ =	sdelay $0x4  }
0xc2: {  	v4 =	vadd.f32 v21, v23  }
0xc3: {  	v2 =	vadd.f32 v2, v26;
	v3 =	vadd.f32 v19, v24  }
0xc4: {  	v5 =	vadd.f32 v16, v25  }
0xc5: {  	v0 =	vadd.f32 v0, v2;
	v3 =	vadd.f32 v17, v3  }
0xc6: {  	v1 =	vadd.f32 v1, v5;
	v2 =	vadd.f32 v20, v4;
	v4 =	vpop (erf)  }
0xc7: {  	s0 =	sshll.u32 s21, $0x6;
	v3 =	vadd.f32 v18, v3;
	v0 =	vmul.f32 v0, v4  }
0xc8: {  	s0 =	sand.u32 $0x3FFFFFC0, s0;
	v2 =	vadd.f32 v22, v2;
	v1 =	vmul.f32 v1, v4  }
0xc9: {  	[tilespmem:s0+$0x1B080] =	vst v0;
	v0 =	vmul.f32 v3, v4  }
0xca: {  	p0 =	seq.s32 s14, $0x1F;
	[tilespmem:s0+$0x1B090] =	vst v1;
	v1 =	vmul.f32 v2, v4  }
0xcb: {  	s20 =	sshra.s32 @!p0 s20, $0x2;
	[tilespmem:s0+$0x1B0A0] =	vst v0  }
0xcc: {  	s4 =	simm.s32 @!p0 $0x68;
	s21 =	simm.s32 @!p0 $0xE880;
	[tilespmem:s0+$0x1B0B0] =	vst v1;
	s0 =	sadd.s32 @!p0 $0x3A0, s20  }
0xcd: {  	[tilespmem:s21], [sflag:$0x2] =	stream.indirect.gather @!p0 [hbm4b:s3+s4], $0x40, s0, s4, $0xb8;
	[tilespmem:$0x1D080] =	vst v63  }
0xce: {  	s0 =	sadd.s32 @!p0 $0x408, s20;
	s4 =	simm.s32 @!p0 $0x60;
	s21 =	simm.s32 @!p0 $0x10280  }
0xcf: {  	[tilespmem:s21], [sflag:$0x2] =	stream.indirect.gather @!p0 [hbm4b:s3+s4], $0x40, s0, s4, $0xb8;
	[tilespmem:$0x1D080] =	vst v63  }
0xd0: {  	_ =	swait.ge [sflag:s30], $0x3200  }
0xd1: {  	[sflag:s30] =	ssyncset.done $0x0  }
0xd2: {  	[sflag:s30] =	ssyncadd.s32 $0xFFFFCE00  }
0xd3: {  	v3 =	vld [tilespmem:s18+$0x6480]  }
0xd4: {  	v4 =	vld [tilespmem:s18+$0x6490]  }
0xd5: {  	v5 =	vld [tilespmem:s18+$0x64A0]  }
0xd6: {  	v6 =	vld [tilespmem:s18+$0x64B0]  }
0xd7: {  	v7 =	vld [tilespmem:s18+$0x64C0]  }
0xd8: {  	v8 =	vld [tilespmem:s18+$0x64D0]  }
0xd9: {  	v9 =	vld [tilespmem:s18+$0x64E0]  }
0xda: {  	v10 =	vld [tilespmem:s18+$0x64F0]  }
0xdb: {  	v11 =	vld [tilespmem:s18+$0x6500]  }
0xdc: {  	v12 =	vld [tilespmem:s18+$0x6510]  }
0xdd: {  	v13 =	vld [tilespmem:s18+$0x6520]  }
0xde: {  	v14 =	vld [tilespmem:s18+$0x6530]  }
0xdf: {  	s21 =	simm.s32 $0x14C80;
	v15 =	vld [tilespmem:s18+$0x6538]  }
0xe0: {  	v0 =	vld [tilespmem:s21+$0xC0]  }
0xe1: {  	v1 =	vld [tilespmem:s21+$0xD0]  }
0xe2: {  	v2 =	vld [tilespmem:s21+$0x80]  }
0xe3: {  	v16 =	vld [tilespmem:s21+$0x90]  }
0xe4: {  	v22 =	vld [tilespmem:s21+$0x40]  }
0xe5: {  	v25 =	vld [tilespmem:s21+$0x50]  }
0xe6: {  	v18 =	vld [tilespmem:s21+$0x0]  }
0xe7: {  	v20 =	vld [tilespmem:s21+$0x10]  }
0xe8: {  	v23 =	vld [tilespmem:s21+$0x20]  }
0xe9: {  	v26 =	vld [tilespmem:s21+$0x30]  }
0xea: {  	v19 =	vld [tilespmem:s21+$0x60]  }
0xeb: {  	v21 =	vld [tilespmem:s21+$0x70]  }
0xec: {  	v27 =	vimm.f32 $0.0e+00;
	v17 =	vld [tilespmem:s21+$0xA0]  }
0xed: {  	v28 =	vadd.f32 v18, v27;
	v29 =	vadd.f32 v20, v27;
	v20 =	vld [tilespmem:s21+$0xB0]  }
0xee: {  	v24 =	vadd.f32 v23, v27;
	v23 =	vadd.f32 v26, v27;
	v18 =	vld [tilespmem:s21+$0xE0]  }
0xef: {  	s0 =	simm.s32 $0x0;
	s4 =	simm.s32 $0x14D80;
	v26 =	vadd.f32 v22, v28;
	v25 =	vadd.f32 v25, v29;
	v22 =	vld [tilespmem:s21+$0xF0]  }
.LBB2_7:
0xf0: {  	v27 =	vld [tilespmem:s4+$0xC0];
	v19 =	vadd.f32 v19, v24;
	v21 =	vadd.f32 v21, v23  }
0xf1: {  	v23 =	vld [tilespmem:s4+$0xD0];
	v24 =	vadd.f32 v2, v26;
	v25 =	vadd.f32 v16, v25  }
0xf2: {  	v2 =	vld [tilespmem:s4+$0x80];
	v17 =	vadd.f32 v17, v19;
	v19 =	vadd.f32 v20, v21  }
0xf3: {  	v16 =	vld [tilespmem:s4+$0x90];
	v20 =	vadd.f32 v0, v24;
	v24 =	vadd.f32 v1, v25  }
0xf4: {  	v25 =	vld [tilespmem:s4+$0x40];
	v18 =	vadd.f32 v18, v17;
	v22 =	vadd.f32 v22, v19  }
0xf5: {  	v28 =	vld [tilespmem:s4+$0x50];
	v0 =	vmov v27  }
0xf6: {  	v26 =	vld [tilespmem:s4+$0x0];
	v1 =	vmov v23  }
0xf7: {  	v23 =	vld [tilespmem:s4+$0x10]  }
0xf8: {  	v27 =	vld [tilespmem:s4+$0x20]  }
0xf9: {  	s0 =	sadd.s32 $0x4, s0;
	v29 =	vld [tilespmem:s4+$0x30]  }
0xfa: {  	p1 =	slt.u32 s0, $0xC4;
	v19 =	vld [tilespmem:s4+$0x60]  }
.Ltmp2:
0xfb: {  	v21 =	vld [tilespmem:s4+$0x70];
	(pc) =	sbr.rel @p1 .LBB2_7-.Ltmp2, $4  }
0xfc: {  	v17 =	vld [tilespmem:s4+$0xA0]  }
0xfd: {  	v26 =	vadd.f32 v26, v20;
	v30 =	vadd.f32 v23, v24;
	v20 =	vld [tilespmem:s4+$0xB0]  }
0xfe: {  	v24 =	vadd.f32 v27, v18;
	v23 =	vadd.f32 v29, v22;
	v18 =	vld [tilespmem:s4+$0xE0]  }
0xff: {  	v26 =	vadd.f32 v25, v26;
	v25 =	vadd.f32 v28, v30;
	v22 =	vld [tilespmem:s4+$0xF0];
	s4 =	sadd.s32 $0x100, s4  }
0x100: {  	v3 =	vadd.f32 $0.0e+00, v3;
	_ =	sdelay $0x1  }
0x101: {  	v3 =	vadd.f32 v4, v3;
	_ =	sdelay $0x1  }
0x102: {  	v3 =	vadd.f32 v5, v3;
	_ =	sdelay $0x1  }
0x103: {  	v3 =	vadd.f32 v6, v3;
	_ =	sdelay $0x1  }
0x104: {  	v3 =	vadd.f32 v7, v3;
	_ =	sdelay $0x1  }
0x105: {  	v3 =	vadd.f32 v8, v3;
	_ =	sdelay $0x1  }
0x106: {  	v3 =	vadd.f32 v9, v3;
	_ =	sdelay $0x1  }
0x107: {  	v3 =	vadd.f32 v10, v3;
	_ =	sdelay $0x1  }
0x108: {  	v3 =	vadd.f32 v11, v3;
	_ =	sdelay $0x1  }
0x109: {  	v3 =	vadd.f32 v12, v3;
	_ =	sdelay $0x1  }
0x10a: {  	v3 =	vadd.f32 v13, v3;
	_ =	sdelay $0x1  }
0x10b: {  	v3 =	vadd.f32 v14, v3  }
0x10c: {  	v4 =	vsel vm0, $0x0, v15  }
0x10d: {  	v3 =	vadd.f32 v4, v3;
	_ =	sdelay $0x1  }
0x10e: {  	(xrf2) =	vadd.scan.msk.f32 $0xffff, v3;
	_ =	sdelay $0x9  }
0x10f: {  	v3, _, _ =	vpop (xrf2)  }
0x110: {  	v3 =	vadd.f32 $9.999999710e-10, v3;
	_ =	sdelay $0x1  }
0x111: {  	v3 =	vbroadcast v3, $0xF;
	_ =	sdelay $0x1  }
0x112: {  	(erf) = vrcp.f32 v3;
	_ =	sdelay $0x4  }
0x113: {  	v4 =	vadd.f32 v21, v23  }
0x114: {  	v2 =	vadd.f32 v2, v26;
	v3 =	vadd.f32 v19, v24  }
0x115: {  	v5 =	vadd.f32 v16, v25  }
0x116: {  	v0 =	vadd.f32 v0, v2;
	v3 =	vadd.f32 v17, v3  }
0x117: {  	v1 =	vadd.f32 v1, v5;
	v2 =	vadd.f32 v20, v4;
	v4 =	vpop (erf)  }
0x118: {  	s0 =	sshll.u32 s17, $0x6;
	v3 =	vadd.f32 v18, v3;
	v0 =	vmul.f32 v0, v4  }
0x119: {  	s0 =	sand.u32 $0x3FFFFFC0, s0;
	v2 =	vadd.f32 v22, v2;
	v1 =	vmul.f32 v1, v4  }
0x11a: {  	[tilespmem:s0+$0x1B080] =	vst v0;
	v0 =	vmul.f32 v3, v4  }
0x11b: {  	[tilespmem:s0+$0x1B090] =	vst v1;
	v1 =	vmul.f32 v2, v4  }
0x11c: {  	[tilespmem:s0+$0x1B0A0] =	vst v0  }
0x11d: {  	s4 =	simm.s32 @!p0 $0x68;
	s17 =	simm.s32 @!p0 $0x11A80;
	[tilespmem:s0+$0x1B0B0] =	vst v1;
	s0 =	sadd.s32 @!p0 $0x468, s20  }
0x11e: {  	[tilespmem:s17], [sflag:$0x3] =	stream.indirect.gather @!p0 [hbm4b:s3+s4], $0x40, s0, s4, $0xb8;
	[tilespmem:$0x1D080] =	vst v63  }
0x11f: {  	s0 =	sadd.s32 @!p0 $0x4D0, s20;
	s4 =	simm.s32 @!p0 $0x60;
	s17 =	simm.s32 @!p0 $0x13480  }
0x120: {  	[tilespmem:s17], [sflag:$0x3] =	stream.indirect.gather @!p0 [hbm4b:s3+s4], $0x40, s0, s4, $0xb8;
	[tilespmem:$0x1D080] =	vst v63  }
0x121: {  	_ =	swait.ge [sflag:s31], $0x3200  }
0x122: {  	[sflag:s31] =	ssyncset.done $0x0  }
0x123: {  	[sflag:s31] =	ssyncadd.s32 $0xFFFFCE00  }
0x124: {  	v3 =	vld [tilespmem:s19+$0x6480]  }
0x125: {  	v4 =	vld [tilespmem:s19+$0x6490]  }
0x126: {  	v5 =	vld [tilespmem:s19+$0x64A0]  }
0x127: {  	v6 =	vld [tilespmem:s19+$0x64B0]  }
0x128: {  	v7 =	vld [tilespmem:s19+$0x64C0]  }
0x129: {  	v8 =	vld [tilespmem:s19+$0x64D0]  }
0x12a: {  	v9 =	vld [tilespmem:s19+$0x64E0]  }
0x12b: {  	v10 =	vld [tilespmem:s19+$0x64F0]  }
0x12c: {  	v11 =	vld [tilespmem:s19+$0x6500]  }
0x12d: {  	v12 =	vld [tilespmem:s19+$0x6510]  }
0x12e: {  	v13 =	vld [tilespmem:s19+$0x6520]  }
0x12f: {  	v14 =	vld [tilespmem:s19+$0x6530]  }
0x130: {  	s21 =	simm.s32 $0x17E80;
	v15 =	vld [tilespmem:s19+$0x6538]  }
0x131: {  	v0 =	vld [tilespmem:s21+$0xC0]  }
0x132: {  	v1 =	vld [tilespmem:s21+$0xD0]  }
0x133: {  	v2 =	vld [tilespmem:s21+$0x80]  }
0x134: {  	v16 =	vld [tilespmem:s21+$0x90]  }
0x135: {  	v22 =	vld [tilespmem:s21+$0x40]  }
0x136: {  	v25 =	vld [tilespmem:s21+$0x50]  }
0x137: {  	v18 =	vld [tilespmem:s21+$0x0]  }
0x138: {  	v20 =	vld [tilespmem:s21+$0x10]  }
0x139: {  	v23 =	vld [tilespmem:s21+$0x20]  }
0x13a: {  	v26 =	vld [tilespmem:s21+$0x30]  }
0x13b: {  	v19 =	vld [tilespmem:s21+$0x60]  }
0x13c: {  	v21 =	vld [tilespmem:s21+$0x70]  }
0x13d: {  	v27 =	vimm.f32 $0.0e+00;
	v17 =	vld [tilespmem:s21+$0xA0]  }
0x13e: {  	v28 =	vadd.f32 v18, v27;
	v29 =	vadd.f32 v20, v27;
	v20 =	vld [tilespmem:s21+$0xB0]  }
0x13f: {  	v24 =	vadd.f32 v23, v27;
	v23 =	vadd.f32 v26, v27;
	v18 =	vld [tilespmem:s21+$0xE0]  }
0x140: {  	s0 =	simm.s32 $0x0;
	s4 =	simm.s32 $0x17F80;
	v26 =	vadd.f32 v22, v28;
	v25 =	vadd.f32 v25, v29;
	v22 =	vld [tilespmem:s21+$0xF0]  }
.LBB2_9:
0x141: {  	v27 =	vld [tilespmem:s4+$0xC0];
	v19 =	vadd.f32 v19, v24;
	v21 =	vadd.f32 v21, v23  }
0x142: {  	v23 =	vld [tilespmem:s4+$0xD0];
	v24 =	vadd.f32 v2, v26;
	v25 =	vadd.f32 v16, v25  }
0x143: {  	v2 =	vld [tilespmem:s4+$0x80];
	v17 =	vadd.f32 v17, v19;
	v19 =	vadd.f32 v20, v21  }
0x144: {  	v16 =	vld [tilespmem:s4+$0x90];
	v20 =	vadd.f32 v0, v24;
	v24 =	vadd.f32 v1, v25  }
0x145: {  	v25 =	vld [tilespmem:s4+$0x40];
	v18 =	vadd.f32 v18, v17;
	v22 =	vadd.f32 v22, v19  }
0x146: {  	v28 =	vld [tilespmem:s4+$0x50];
	v0 =	vmov v27  }
0x147: {  	v26 =	vld [tilespmem:s4+$0x0];
	v1 =	vmov v23  }
0x148: {  	v23 =	vld [tilespmem:s4+$0x10]  }
0x149: {  	v27 =	vld [tilespmem:s4+$0x20]  }
0x14a: {  	s0 =	sadd.s32 $0x4, s0;
	v29 =	vld [tilespmem:s4+$0x30]  }
0x14b: {  	p0 =	slt.u32 s0, $0xC4;
	v19 =	vld [tilespmem:s4+$0x60]  }
.Ltmp3:
0x14c: {  	v21 =	vld [tilespmem:s4+$0x70];
	(pc) =	sbr.rel @p0 .LBB2_9-.Ltmp3, $4  }
0x14d: {  	v17 =	vld [tilespmem:s4+$0xA0]  }
0x14e: {  	v26 =	vadd.f32 v26, v20;
	v30 =	vadd.f32 v23, v24;
	v20 =	vld [tilespmem:s4+$0xB0]  }
0x14f: {  	v24 =	vadd.f32 v27, v18;
	v23 =	vadd.f32 v29, v22;
	v18 =	vld [tilespmem:s4+$0xE0]  }
0x150: {  	v26 =	vadd.f32 v25, v26;
	v25 =	vadd.f32 v28, v30;
	v22 =	vld [tilespmem:s4+$0xF0];
	s4 =	sadd.s32 $0x100, s4  }
0x151: {  	v3 =	vadd.f32 $0.0e+00, v3;
	_ =	sdelay $0x1  }
0x152: {  	v3 =	vadd.f32 v4, v3;
	_ =	sdelay $0x1  }
0x153: {  	v3 =	vadd.f32 v5, v3;
	_ =	sdelay $0x1  }
0x154: {  	v3 =	vadd.f32 v6, v3;
	_ =	sdelay $0x1  }
0x155: {  	v3 =	vadd.f32 v7, v3;
	_ =	sdelay $0x1  }
0x156: {  	v3 =	vadd.f32 v8, v3;
	_ =	sdelay $0x1  }
0x157: {  	v3 =	vadd.f32 v9, v3;
	_ =	sdelay $0x1  }
0x158: {  	v3 =	vadd.f32 v10, v3;
	_ =	sdelay $0x1  }
0x159: {  	v3 =	vadd.f32 v11, v3;
	_ =	sdelay $0x1  }
0x15a: {  	v3 =	vadd.f32 v12, v3;
	_ =	sdelay $0x1  }
0x15b: {  	v3 =	vadd.f32 v13, v3;
	_ =	sdelay $0x1  }
0x15c: {  	v3 =	vadd.f32 v14, v3  }
0x15d: {  	v56 =	vsel vm0, $0x0, v15  }
0x15e: {  	v3 =	vadd.f32 v56, v3;
	_ =	sdelay $0x1  }
0x15f: {  	(xrf2) =	vadd.scan.msk.f32 $0xffff, v3;
	_ =	sdelay $0x9  }
0x160: {  	v3, _, _ =	vpop (xrf2)  }
0x161: {  	v3 =	vadd.f32 $9.999999710e-10, v3;
	_ =	sdelay $0x1  }
0x162: {  	v3 =	vbroadcast v3, $0xF;
	_ =	sdelay $0x1  }
0x163: {  	(erf) = vrcp.f32 v3;
	_ =	sdelay $0x5  }
0x164: {  	v57 =	vadd.f32 v19, v24;
	v2 =	vadd.f32 v2, v26  }
0x165: {  	v58 =	vadd.f32 v21, v23;
	v59 =	vadd.f32 v16, v25  }
0x166: {  	v0 =	vadd.f32 v0, v2;
	v3 =	vadd.f32 v17, v57  }
0x167: {  	s14 =	sadd.s32 $0x1, s14;
	v60 =	vadd.f32 v20, v58;
	v1 =	vadd.f32 v1, v59;
	v61 =	vpop (erf)  }
0x168: {  	s0 =	sshll.u32 s16, $0x6;
	p0 =	sne.s32 s14, $0x20;
	v3 =	vadd.f32 v18, v3;
	v0 =	vmul.f32 v0, v61  }
.Ltmp4:
0x169: {  	s0 =	sand.u32 $0x3FFFFFC0, s0;
	v2 =	vadd.f32 v22, v60;
	v1 =	vmul.f32 v1, v61;
	(pc) =	sbr.rel @p0 .LBB2_2-.Ltmp4, $4  }
0x16a: {  	v62 =	vmul.f32 v3, v61;
	[tilespmem:s0+$0x1B080] =	vst v0  }
0x16b: {  	v63 =	vmul.f32 v2, v61;
	[tilespmem:s0+$0x1B090] =	vst v1  }
0x16c: {  	[tilespmem:s0+$0x1B0A0] =	vst v62  }
0x16d: {  	[tilespmem:s0+$0x1B0B0] =	vst v63  }
0x16e: {  	_ =	swait.ge [sflag:s1], $0x2000  }
0x16f: {  	[sflag:s1] =	ssyncset.done $0x0  }
0x170: {  	[sflag:s1] =	ssyncadd.s32 $0xFFFFE000  }
0x171: {  	[hbm4b:s7+s2] =	stream.linear.scatter [tilespmem:s22], [sflag:$0x6], $0x2000, $0x38;
	[tilespmem:$0x1D080] =	vst v63  }
0x172: {  	s12 =	sadd.s32 $0x1, s12;
	_ =	swait.ge [sflag:s10], $0x2000  }
0x173: {  	p0 =	sne.s32 s12, s9;
	[sflag:s10] =	ssyncset.done $0x0  }
.Ltmp5:
0x174: {  	s0 =	simm.s32 $0x1B080;
	[sflag:s10] =	ssyncadd.s32 $0xFFFFE000;
	(pc) =	sbr.rel @p0 .LBB2_1-.Ltmp5, $4  }
0x175: {  	[hbm4b:s8+s2] =	stream.linear.scatter [tilespmem:s0], [sflag:$0x6], $0x2000, $0x38;
	[tilespmem:$0x1D080] =	vst v63  }
0x176: {  	_ =	swait.ge [sflag:s10], $0x2000  }
0x177: {  	[sflag:s10] =	ssyncset.done $0x0  }
0x178: {  	[sflag:s10] =	ssyncadd.s32 $0xFFFFE000  }
0x179: {  	_ =	sfence.sel $0x180000  }
0x17a: {  	[bflag:$0x0] =	sbarrier.arrive $0xFFFF  }
0x17b: {  	_ =	strace $0x90000047  }
0x17c: {  	s0 =	stileid.u32;
	[bflag:$0x2] =	sbarrier.arrive $0xFFFF  }
0x17d: {  	p0 =	sne.s32 s0, $0x0;
	s0 =	rddreg [dreg:$0x3]  }
0x17e: {  	s0 =	sadd.s32 @!p0 $0x100000, s0  }
0x17f: {  	[sflag:s0] =	ssyncadd.tile.s32 @!p0 $0x1;
	_ =	shalt  }
.Lfunc_end2:
_tile_overlayer_lowered:
.L_overlay_start_2:
0x180: {  	(tag) =	ssettag $0x2  }
0x181: {  	s0 =	rddreg [dreg:$0x0];
	s2 =	stileid.u32  }
0x182: {  	s1 =	rddreg [dreg:$0x1];
	p0 =	sne.s32 s2, $0x0  }
0x183: {  	s3 =	rddreg [dreg:$0x2];
	[bflag:$0x3] =	sbarrier.arrive $0xFFFF;
	s2 =	simm.s32 @!p0 $0x1C06  }
0x184: {  	[timem:s3], [sflag:s2] =	dma.local @!p0 [hbm:s0], s1  }
0x185: {  	s0 =	simm.s32 @!p0 $0x6  }
0x186: {  	_ =	swait.ge @!p0 [sflag:s0], s1  }
0x187: {  	s1 =	ssub.s32 @!p0 $0x0, s1;
	[sflag:s0] =	ssyncset.done @!p0 $0x0  }
0x188: {  	[sflag:s0] =	ssyncadd.s32 @!p0 s1  }
0x189: {  	[bflag:$0x3] =	sbarrier.arrive $0xFFFF  }
0x18a: {  	_ =	shalt  }

</sc_bundles>
